<compile_context>
chip_gen: v7x
topology: tpu7x:2x2x1
jax: 0.10.2.dev20260603
libtpu: 0.0.44.dev20260713+nightly
codegen_flags: <defaults>
</compile_context>

<pallas_src>
import functools

import jax
import jax.numpy as jnp
from jax import lax
from jax.experimental import pallas as pl
from jax.experimental.pallas import tpu as pltpu
from jax.experimental.pallas import tpu_sc as plsc

B = 16384
NC = 2
NS = 16
L = 16
NW = NC * NS
N_FLAT = B * 5
L_FLAT = B
N_PER_W = N_FLAT // NW
L_PER_W = L_FLAT // NW
N_STEPS = N_PER_W // L
L_STEPS = L_PER_W // L
N_CHUNKS = 4
C_STEPS = N_STEPS // N_CHUNKS
C_ELEMS = C_STEPS * L

_mesh = plsc.VectorSubcoreMesh(core_axis_name="c", subcore_axis_name="s")


_GDN = lax.GatherDimensionNumbers(
    offset_dims=(), collapsed_slice_dims=(0,), start_index_map=(0,))


def _perm(x, idx):
    return lax.gather(x, idx[:, None], _GDN, slice_sizes=(1,),
                      mode=lax.GatherScatterMode.PROMISE_IN_BOUNDS)


def _lane_sum(v):
    lane = lax.iota(jnp.int32, L)
    for k in (8, 4, 2, 1):
        v = v + _perm(v, jnp.bitwise_xor(lane, k))
    return v


def _exp_scatter(raw_ref, tab_ref, n_vregs, n_valid):
    lane = lax.iota(jnp.int32, L)
    esum = jnp.zeros((L,), jnp.float32)
    for i in range(n_vregs):
        v = raw_ref[pl.ds(i * L, L)]
        valid = lane + (i * L) < n_valid
        e = jnp.where(valid, jnp.exp(v), jnp.zeros((L,), jnp.float32))
        plsc.store_scatter(tab_ref, [lane + (i * L + 1)], e, mask=valid)
        esum = esum + e
    return 1.0 / _lane_sum(esum)


@functools.partial(
    pl.kernel,
    out_type=(
        jax.ShapeDtypeStruct((N_FLAT,), jnp.float32),
        jax.ShapeDtypeStruct((L_FLAT,), jnp.float32),
    ),
    mesh=_mesh,
    scratch_types=[
        pltpu.VMEM((64,), jnp.float32),
        pltpu.VMEM((16,), jnp.float32),
        pltpu.VMEM((64,), jnp.float32),
        pltpu.VMEM((16,), jnp.float32),
        pltpu.VMEM((N_PER_W,), jnp.int32),
        pltpu.VMEM((N_PER_W,), jnp.float32),
        pltpu.VMEM((L_PER_W,), jnp.int32),
        pltpu.VMEM((L_PER_W,), jnp.float32),
        pltpu.SemaphoreType.DMA,
        pltpu.SemaphoreType.DMA,
        pltpu.SemaphoreType.DMA,
        pltpu.SemaphoreType.DMA,
    ],
    compiler_params=pltpu.CompilerParams(needs_layout_passes=False),
)
def _gather_probs(gn_hbm, lk_hbm, ln_hbm, ll_hbm, out_n_hbm, out_l_hbm,
                  nraw, lraw, ntab, ltab, nidx, nout, lidx, lout,
                  sem_t, sem_i, sem_li, sem_o):
    wid = lax.axis_index("s") * NC + lax.axis_index("c")
    nbase = wid * N_PER_W
    lbase = wid * L_PER_W

    ln_c = pltpu.async_copy(ln_hbm, nraw.at[pl.ds(0, 49)], sem_t)
    ll_c = pltpu.async_copy(ll_hbm, lraw.at[pl.ds(0, 10)], sem_t)
    ni_c = pltpu.async_copy(gn_hbm.at[pl.ds(nbase, N_PER_W)], nidx, sem_i)
    li_c = pltpu.async_copy(lk_hbm.at[pl.ds(lbase, L_PER_W)], lidx, sem_li)

    ln_c.wait()
    ll_c.wait()
    r_n = _exp_scatter(nraw, ntab, 4, 49)
    r_l = _exp_scatter(lraw, ltab, 1, 10)

    def nbody(i, carry):
        idx = nidx[pl.ds(i * L, L)]
        nout[pl.ds(i * L, L)] = plsc.load_gather(ntab, [idx]) * r_n
        return carry

    ni_c.wait()
    out_copies = []
    for c in range(N_CHUNKS):
        lax.fori_loop(c * C_STEPS, (c + 1) * C_STEPS, nbody, 0, unroll=8)
        out_copies.append(pltpu.async_copy(
            nout.at[pl.ds(c * C_ELEMS, C_ELEMS)],
            out_n_hbm.at[pl.ds(nbase + c * C_ELEMS, C_ELEMS)], sem_o))

    def lbody(i, carry):
        idx = lidx[pl.ds(i * L, L)]
        lout[pl.ds(i * L, L)] = plsc.load_gather(ltab, [idx]) * r_l
        return carry

    li_c.wait()
    lax.fori_loop(0, L_STEPS, lbody, 0, unroll=8)
    out_copies.append(
        pltpu.async_copy(lout, out_l_hbm.at[pl.ds(lbase, L_PER_W)], sem_o))

    for c in out_copies:
        c.wait()


def kernel(good_normal, lucky, log_normal_probs, log_lucky_probs):
    out_n, out_l = _gather_probs(
        good_normal.reshape(-1), lucky.reshape(-1),
        log_normal_probs, log_lucky_probs)
    return out_n.reshape(B, 5), out_l.reshape(B, 1)

# --- scband reference (transcript-rebuilt; emitter-appended) ---
"""Pipeline reference for scband-gather-probs-layer-6700148981999 (READ-ONLY COPY).

The authoritative reference and input builder live on the scoring server;
editing this copy changes nothing except your own understanding.
"""

import jax, jax.numpy as jnp
import numpy as np

B = 16384

def setup_inputs(seed: int = 0) -> dict:
    key = jax.random.key(seed)
    k1, k2, k3, k4 = jax.random.split(key, 4)
    # Ball numbers are 1-indexed: normal numbers in [1, 49], lucky number in [1, 10]
    good_normal = jax.random.randint(k1, (B, 5), 1, 50, dtype=jnp.int32)
    lucky = jax.random.randint(k2, (B, 1), 1, 11, dtype=jnp.int32)
    # Learned logits (layer weights)
    log_normal_probs = jax.random.normal(k3, (49,), dtype=jnp.float32)
    log_lucky_probs = jax.random.normal(k4, (10,), dtype=jnp.float32)
    return {
        "good_normal": good_normal,
        "lucky": lucky,
        "log_normal_probs": log_normal_probs,
        "log_lucky_probs": log_lucky_probs,
    }

def reference(good_normal, lucky, log_normal_probs, log_lucky_probs):
    normal_probs = jax.nn.softmax(log_normal_probs)
    lucky_probs = jax.nn.softmax(log_lucky_probs)
    good_normal_probs = jnp.take(normal_probs, good_normal - 1, axis=0)
    good_lucky_prob = jnp.take(lucky_probs, lucky - 1, axis=0)
    return (good_normal_probs, good_lucky_prob)

if __name__ == "__main__":
    import jax
    _d = setup_inputs()
    print(jax.jit(kernel)(*tuple(_d.values())))

</pallas_src>

<mosaic_0001>
#map = affine_map<(d0, d1) -> (0)>
module attributes {stable_mosaic.version = 14 : i64} {
  func.func @_gather_probs(%arg0: i32, %arg1: i32, %arg2: memref<81920xi32, #tpu.memory_space<hbm>>, %arg3: memref<16384xi32, #tpu.memory_space<hbm>>, %arg4: memref<49xf32, #tpu.memory_space<hbm>>, %arg5: memref<10xf32, #tpu.memory_space<hbm>>, %arg6: memref<81920xf32, #tpu.memory_space<hbm>>, %arg7: memref<16384xf32, #tpu.memory_space<hbm>>, %arg8: memref<64xf32, #tpu.memory_space<vmem>>, %arg9: memref<16xf32, #tpu.memory_space<vmem>>, %arg10: memref<64xf32, #tpu.memory_space<vmem>>, %arg11: memref<16xf32, #tpu.memory_space<vmem>>, %arg12: memref<2560xi32, #tpu.memory_space<vmem>>, %arg13: memref<2560xf32, #tpu.memory_space<vmem>>, %arg14: memref<512xi32, #tpu.memory_space<vmem>>, %arg15: memref<512xf32, #tpu.memory_space<vmem>>, %arg16: memref<!tpu.dma_semaphore, #tpu.memory_space<semaphore_mem>>, %arg17: memref<!tpu.dma_semaphore, #tpu.memory_space<semaphore_mem>>, %arg18: memref<!tpu.dma_semaphore, #tpu.memory_space<semaphore_mem>>, %arg19: memref<!tpu.dma_semaphore, #tpu.memory_space<semaphore_mem>>) attributes {dimension_semantics = [#tpu.dimension_semantics<core_parallel>, #tpu.dimension_semantics<subcore_parallel>], iteration_bounds = array<i64: 2, 16>, scalar_prefetch = 0 : i64, scratch_operands = 12 : i64, tpu.core_type = #tpu.core_type<sc_vector_subcore>, window_params = [{transform_indices = #map}, {transform_indices = #map}, {transform_indices = #map}, {transform_indices = #map}, {transform_indices = #map}, {transform_indices = #map}]} {
    %mul3A = arith.constant 2 : i32
    %mul3A_0 = arith.muli %arg1, %mul3A : i32
    %add3A = arith.addi %mul3A_0, %arg0 : i32
    %mul3A_1 = arith.constant 2560 : i32
    %mul3A_2 = arith.muli %add3A, %mul3A_1 : i32
    %mul3A_3 = arith.constant 512 : i32
    %mul3A_4 = arith.muli %add3A, %mul3A_3 : i32
    %dma_start3A = arith.constant 0 : i32
    %dma_start3A_5 = tpu.memref_slice %arg8[%dma_start3A] : memref<64xf32, #tpu.memory_space<vmem>> -> memref<49xf32, #tpu.memory_space<vmem>>
    %dma_start3A_6 = arith.constant 0 : i32
    %dma_start3A_7 = tpu.memref_slice %arg8[%dma_start3A_6] : memref<64xf32, #tpu.memory_space<vmem>> -> memref<49xf32, #tpu.memory_space<vmem>>
    tpu.enqueue_dma source(%arg4 : memref<49xf32, #tpu.memory_space<hbm>>) target(%dma_start3A_7 : memref<49xf32, #tpu.memory_space<vmem>>) target_semaphore(%arg16 : memref<!tpu.dma_semaphore, #tpu.memory_space<semaphore_mem>>)
    %dma_start3A_8 = arith.constant 0 : i32
    %dma_start3A_9 = tpu.memref_slice %arg9[%dma_start3A_8] : memref<16xf32, #tpu.memory_space<vmem>> -> memref<10xf32, #tpu.memory_space<vmem>>
    %dma_start3A_10 = arith.constant 0 : i32
    %dma_start3A_11 = tpu.memref_slice %arg9[%dma_start3A_10] : memref<16xf32, #tpu.memory_space<vmem>> -> memref<10xf32, #tpu.memory_space<vmem>>
    tpu.enqueue_dma source(%arg5 : memref<10xf32, #tpu.memory_space<hbm>>) target(%dma_start3A_11 : memref<10xf32, #tpu.memory_space<vmem>>) target_semaphore(%arg16 : memref<!tpu.dma_semaphore, #tpu.memory_space<semaphore_mem>>)
    %dma_start3A_12 = tpu.memref_slice %arg2[%mul3A_2] : memref<81920xi32, #tpu.memory_space<hbm>> -> memref<2560xi32, #tpu.memory_space<hbm>>
    %dma_start3A_13 = tpu.memref_slice %arg2[%mul3A_2] : memref<81920xi32, #tpu.memory_space<hbm>> -> memref<2560xi32, #tpu.memory_space<hbm>>
    tpu.enqueue_dma source(%dma_start3A_13 : memref<2560xi32, #tpu.memory_space<hbm>>) target(%arg12 : memref<2560xi32, #tpu.memory_space<vmem>>) target_semaphore(%arg17 : memref<!tpu.dma_semaphore, #tpu.memory_space<semaphore_mem>>)
    %dma_start3A_14 = tpu.memref_slice %arg3[%mul3A_4] : memref<16384xi32, #tpu.memory_space<hbm>> -> memref<512xi32, #tpu.memory_space<hbm>>
    %dma_start3A_15 = tpu.memref_slice %arg3[%mul3A_4] : memref<16384xi32, #tpu.memory_space<hbm>> -> memref<512xi32, #tpu.memory_space<hbm>>
    tpu.enqueue_dma source(%dma_start3A_15 : memref<512xi32, #tpu.memory_space<hbm>>) target(%arg14 : memref<512xi32, #tpu.memory_space<vmem>>) target_semaphore(%arg18 : memref<!tpu.dma_semaphore, #tpu.memory_space<semaphore_mem>>)
    %dma_wait3A = arith.constant 0 : i32
    %dma_wait3A_16 = tpu.memref_slice %arg8[%dma_wait3A] : memref<64xf32, #tpu.memory_space<vmem>> -> memref<49xf32, #tpu.memory_space<vmem>>
    %dma_wait3A_17 = arith.constant 0 : i32
    %dma_wait3A_18 = tpu.memref_slice %arg8[%dma_wait3A_17] : memref<64xf32, #tpu.memory_space<vmem>> -> memref<49xf32, #tpu.memory_space<vmem>>
    tpu.wait_dma2 semaphore(%arg16 : memref<!tpu.dma_semaphore, #tpu.memory_space<semaphore_mem>>) src(%arg4 : memref<49xf32, #tpu.memory_space<hbm>>) dst(%dma_wait3A_18 : memref<49xf32, #tpu.memory_space<vmem>>)
    %dma_wait3A_19 = arith.constant 0 : i32
    %dma_wait3A_20 = tpu.memref_slice %arg9[%dma_wait3A_19] : memref<16xf32, #tpu.memory_space<vmem>> -> memref<10xf32, #tpu.memory_space<vmem>>
    %dma_wait3A_21 = arith.constant 0 : i32
    %dma_wait3A_22 = tpu.memref_slice %arg9[%dma_wait3A_21] : memref<16xf32, #tpu.memory_space<vmem>> -> memref<10xf32, #tpu.memory_space<vmem>>
    tpu.wait_dma2 semaphore(%arg16 : memref<!tpu.dma_semaphore, #tpu.memory_space<semaphore_mem>>) src(%arg5 : memref<10xf32, #tpu.memory_space<hbm>>) dst(%dma_wait3A_22 : memref<10xf32, #tpu.memory_space<vmem>>)
    %iota3A = tpu.iota {dimensions = array<i32: 0>} : vector<16xi32>
    %broadcast_in_dim3A = arith.constant 0.000000e+00 : f32
    %broadcast_in_dim3A_23 = vector.broadcast %broadcast_in_dim3A : f32 to vector<16xf32>
    %get3A = arith.constant 0 : index
    %get3A_24 = tpu.vector_load %arg8[%get3A] {strides = array<i32>} : memref<64xf32, #tpu.memory_space<vmem>>, vector<16xf32>,
    %add3A_25 = arith.constant 0 : i32
    %add3A_26 = vector.broadcast %add3A_25 : i32 to vector<16xi32>
    %add3A_27 = arith.addi %iota3A, %add3A_26 : vector<16xi32>
    %lt3A = arith.constant 49 : i32
    %lt3A_28 = vector.broadcast %lt3A : i32 to vector<16xi32>
    %lt3A_29 = arith.cmpi slt, %add3A_27, %lt3A_28 : vector<16xi32>
    %exp3A = math.exp %get3A_24 : vector<16xf32>
    %broadcast_in_dim3A_30 = arith.constant 0.000000e+00 : f32
    %broadcast_in_dim3A_31 = vector.broadcast %broadcast_in_dim3A_30 : f32 to vector<16xf32>
    %select_n3A = arith.select %lt3A_29, %exp3A, %broadcast_in_dim3A_31 : vector<16xi1>, vector<16xf32>
    %add3A_32 = arith.constant 1 : i32
    %add3A_33 = vector.broadcast %add3A_32 : i32 to vector<16xi32>
    %add3A_34 = arith.addi %iota3A, %add3A_33 : vector<16xi32>
    tpu.vector_store_idx %arg10[%add3A_34], %select_n3A masked %lt3A_29 : memref<64xf32, #tpu.memory_space<vmem>>[vector<16xi32>], vector<16xf32>, vector<16xi1>
    %add3A_35 = arith.addf %broadcast_in_dim3A_23, %select_n3A : vector<16xf32>
    %get3A_36 = arith.constant 16 : index
    %get3A_37 = tpu.vector_load %arg8[%get3A_36] {strides = array<i32>} : memref<64xf32, #tpu.memory_space<vmem>>, vector<16xf32>,
    %add3A_38 = arith.constant 16 : i32
    %add3A_39 = vector.broadcast %add3A_38 : i32 to vector<16xi32>
    %add3A_40 = arith.addi %iota3A, %add3A_39 : vector<16xi32>
    %lt3A_41 = arith.constant 49 : i32
    %lt3A_42 = vector.broadcast %lt3A_41 : i32 to vector<16xi32>
    %lt3A_43 = arith.cmpi slt, %add3A_40, %lt3A_42 : vector<16xi32>
    %exp3A_44 = math.exp %get3A_37 : vector<16xf32>
    %broadcast_in_dim3A_45 = arith.constant 0.000000e+00 : f32
    %broadcast_in_dim3A_46 = vector.broadcast %broadcast_in_dim3A_45 : f32 to vector<16xf32>
    %select_n3A_47 = arith.select %lt3A_43, %exp3A_44, %broadcast_in_dim3A_46 : vector<16xi1>, vector<16xf32>
    %add3A_48 = arith.constant 17 : i32
    %add3A_49 = vector.broadcast %add3A_48 : i32 to vector<16xi32>
    %add3A_50 = arith.addi %iota3A, %add3A_49 : vector<16xi32>
    tpu.vector_store_idx %arg10[%add3A_50], %select_n3A_47 masked %lt3A_43 : memref<64xf32, #tpu.memory_space<vmem>>[vector<16xi32>], vector<16xf32>, vector<16xi1>
    %add3A_51 = arith.addf %add3A_35, %select_n3A_47 : vector<16xf32>
    %get3A_52 = arith.constant 32 : index
    %get3A_53 = tpu.vector_load %arg8[%get3A_52] {strides = array<i32>} : memref<64xf32, #tpu.memory_space<vmem>>, vector<16xf32>,
    %add3A_54 = arith.constant 32 : i32
    %add3A_55 = vector.broadcast %add3A_54 : i32 to vector<16xi32>
    %add3A_56 = arith.addi %iota3A, %add3A_55 : vector<16xi32>
    %lt3A_57 = arith.constant 49 : i32
    %lt3A_58 = vector.broadcast %lt3A_57 : i32 to vector<16xi32>
    %lt3A_59 = arith.cmpi slt, %add3A_56, %lt3A_58 : vector<16xi32>
    %exp3A_60 = math.exp %get3A_53 : vector<16xf32>
    %broadcast_in_dim3A_61 = arith.constant 0.000000e+00 : f32
    %broadcast_in_dim3A_62 = vector.broadcast %broadcast_in_dim3A_61 : f32 to vector<16xf32>
    %select_n3A_63 = arith.select %lt3A_59, %exp3A_60, %broadcast_in_dim3A_62 : vector<16xi1>, vector<16xf32>
    %add3A_64 = arith.constant 33 : i32
    %add3A_65 = vector.broadcast %add3A_64 : i32 to vector<16xi32>
    %add3A_66 = arith.addi %iota3A, %add3A_65 : vector<16xi32>
    tpu.vector_store_idx %arg10[%add3A_66], %select_n3A_63 masked %lt3A_59 : memref<64xf32, #tpu.memory_space<vmem>>[vector<16xi32>], vector<16xf32>, vector<16xi1>
    %add3A_67 = arith.addf %add3A_51, %select_n3A_63 : vector<16xf32>
    %get3A_68 = arith.constant 48 : index
    %get3A_69 = tpu.vector_load %arg8[%get3A_68] {strides = array<i32>} : memref<64xf32, #tpu.memory_space<vmem>>, vector<16xf32>,
    %add3A_70 = arith.constant 48 : i32
    %add3A_71 = vector.broadcast %add3A_70 : i32 to vector<16xi32>
    %add3A_72 = arith.addi %iota3A, %add3A_71 : vector<16xi32>
    %lt3A_73 = arith.constant 49 : i32
    %lt3A_74 = vector.broadcast %lt3A_73 : i32 to vector<16xi32>
    %lt3A_75 = arith.cmpi slt, %add3A_72, %lt3A_74 : vector<16xi32>
    %exp3A_76 = math.exp %get3A_69 : vector<16xf32>
    %broadcast_in_dim3A_77 = arith.constant 0.000000e+00 : f32
    %broadcast_in_dim3A_78 = vector.broadcast %broadcast_in_dim3A_77 : f32 to vector<16xf32>
    %select_n3A_79 = arith.select %lt3A_75, %exp3A_76, %broadcast_in_dim3A_78 : vector<16xi1>, vector<16xf32>
    %add3A_80 = arith.constant 49 : i32
    %add3A_81 = vector.broadcast %add3A_80 : i32 to vector<16xi32>
    %add3A_82 = arith.addi %iota3A, %add3A_81 : vector<16xi32>
    tpu.vector_store_idx %arg10[%add3A_82], %select_n3A_79 masked %lt3A_75 : memref<64xf32, #tpu.memory_space<vmem>>[vector<16xi32>], vector<16xf32>, vector<16xi1>
    %add3A_83 = arith.addf %add3A_67, %select_n3A_79 : vector<16xf32>
    %iota3A_84 = tpu.iota {dimensions = array<i32: 0>} : vector<16xi32>
    %xor3A = arith.constant 8 : i32
    %xor3A_85 = vector.broadcast %xor3A : i32 to vector<16xi32>
    %xor3A_86 = arith.xori %iota3A_84, %xor3A_85 : vector<16xi32>
    %broadcast_in_dim3A_87 = vector.shape_cast %xor3A_86 : vector<16xi32> to vector<16x1xi32>
    %gather3A = vector.shape_cast %broadcast_in_dim3A_87 : vector<16x1xi32> to vector<16xi32>
    %gather3A_88 = tpu.dynamic_gather %add3A_83[%gather3A] in [0] : vector<16xf32>, vector<16xi32> -> vector<16xf32>
    %add3A_89 = arith.addf %add3A_83, %gather3A_88 : vector<16xf32>
    %xor3A_90 = arith.constant 4 : i32
    %xor3A_91 = vector.broadcast %xor3A_90 : i32 to vector<16xi32>
    %xor3A_92 = arith.xori %iota3A_84, %xor3A_91 : vector<16xi32>
    %broadcast_in_dim3A_93 = vector.shape_cast %xor3A_92 : vector<16xi32> to vector<16x1xi32>
    %gather3A_94 = vector.shape_cast %broadcast_in_dim3A_93 : vector<16x1xi32> to vector<16xi32>
    %gather3A_95 = tpu.dynamic_gather %add3A_89[%gather3A_94] in [0] : vector<16xf32>, vector<16xi32> -> vector<16xf32>
    %add3A_96 = arith.addf %add3A_89, %gather3A_95 : vector<16xf32>
    %xor3A_97 = arith.constant 2 : i32
    %xor3A_98 = vector.broadcast %xor3A_97 : i32 to vector<16xi32>
    %xor3A_99 = arith.xori %iota3A_84, %xor3A_98 : vector<16xi32>
    %broadcast_in_dim3A_100 = vector.shape_cast %xor3A_99 : vector<16xi32> to vector<16x1xi32>
    %gather3A_101 = vector.shape_cast %broadcast_in_dim3A_100 : vector<16x1xi32> to vector<16xi32>
    %gather3A_102 = tpu.dynamic_gather %add3A_96[%gather3A_101] in [0] : vector<16xf32>, vector<16xi32> -> vector<16xf32>
    %add3A_103 = arith.addf %add3A_96, %gather3A_102 : vector<16xf32>
    %xor3A_104 = arith.constant 1 : i32
    %xor3A_105 = vector.broadcast %xor3A_104 : i32 to vector<16xi32>
    %xor3A_106 = arith.xori %iota3A_84, %xor3A_105 : vector<16xi32>
    %broadcast_in_dim3A_107 = vector.shape_cast %xor3A_106 : vector<16xi32> to vector<16x1xi32>
    %gather3A_108 = vector.shape_cast %broadcast_in_dim3A_107 : vector<16x1xi32> to vector<16xi32>
    %gather3A_109 = tpu.dynamic_gather %add3A_103[%gather3A_108] in [0] : vector<16xf32>, vector<16xi32> -> vector<16xf32>
    %add3A_110 = arith.addf %add3A_103, %gather3A_109 : vector<16xf32>
    %div3A = arith.constant 1.000000e+00 : f32
    %div3A_111 = vector.broadcast %div3A : f32 to vector<16xf32>
    %div3A_112 = arith.divf %div3A_111, %add3A_110 : vector<16xf32>
    %iota3A_113 = tpu.iota {dimensions = array<i32: 0>} : vector<16xi32>
    %broadcast_in_dim3A_114 = arith.constant 0.000000e+00 : f32
    %broadcast_in_dim3A_115 = vector.broadcast %broadcast_in_dim3A_114 : f32 to vector<16xf32>
    %get3A_116 = arith.constant 0 : index
    %get3A_117 = tpu.vector_load %arg9[%get3A_116] {strides = array<i32>} : memref<16xf32, #tpu.memory_space<vmem>>, vector<16xf32>,
    %add3A_118 = arith.constant 0 : i32
    %add3A_119 = vector.broadcast %add3A_118 : i32 to vector<16xi32>
    %add3A_120 = arith.addi %iota3A_113, %add3A_119 : vector<16xi32>
    %lt3A_121 = arith.constant 10 : i32
    %lt3A_122 = vector.broadcast %lt3A_121 : i32 to vector<16xi32>
    %lt3A_123 = arith.cmpi slt, %add3A_120, %lt3A_122 : vector<16xi32>
    %exp3A_124 = math.exp %get3A_117 : vector<16xf32>
    %broadcast_in_dim3A_125 = arith.constant 0.000000e+00 : f32
    %broadcast_in_dim3A_126 = vector.broadcast %broadcast_in_dim3A_125 : f32 to vector<16xf32>
    %select_n3A_127 = arith.select %lt3A_123, %exp3A_124, %broadcast_in_dim3A_126 : vector<16xi1>, vector<16xf32>
    %add3A_128 = arith.constant 1 : i32
    %add3A_129 = vector.broadcast %add3A_128 : i32 to vector<16xi32>
    %add3A_130 = arith.addi %iota3A_113, %add3A_129 : vector<16xi32>
    tpu.vector_store_idx %arg11[%add3A_130], %select_n3A_127 masked %lt3A_123 : memref<16xf32, #tpu.memory_space<vmem>>[vector<16xi32>], vector<16xf32>, vector<16xi1>
    %add3A_131 = arith.addf %broadcast_in_dim3A_115, %select_n3A_127 : vector<16xf32>
    %iota3A_132 = tpu.iota {dimensions = array<i32: 0>} : vector<16xi32>
    %xor3A_133 = arith.constant 8 : i32
    %xor3A_134 = vector.broadcast %xor3A_133 : i32 to vector<16xi32>
    %xor3A_135 = arith.xori %iota3A_132, %xor3A_134 : vector<16xi32>
    %broadcast_in_dim3A_136 = vector.shape_cast %xor3A_135 : vector<16xi32> to vector<16x1xi32>
    %gather3A_137 = vector.shape_cast %broadcast_in_dim3A_136 : vector<16x1xi32> to vector<16xi32>
    %gather3A_138 = tpu.dynamic_gather %add3A_131[%gather3A_137] in [0] : vector<16xf32>, vector<16xi32> -> vector<16xf32>
    %add3A_139 = arith.addf %add3A_131, %gather3A_138 : vector<16xf32>
    %xor3A_140 = arith.constant 4 : i32
    %xor3A_141 = vector.broadcast %xor3A_140 : i32 to vector<16xi32>
    %xor3A_142 = arith.xori %iota3A_132, %xor3A_141 : vector<16xi32>
    %broadcast_in_dim3A_143 = vector.shape_cast %xor3A_142 : vector<16xi32> to vector<16x1xi32>
    %gather3A_144 = vector.shape_cast %broadcast_in_dim3A_143 : vector<16x1xi32> to vector<16xi32>
    %gather3A_145 = tpu.dynamic_gather %add3A_139[%gather3A_144] in [0] : vector<16xf32>, vector<16xi32> -> vector<16xf32>
    %add3A_146 = arith.addf %add3A_139, %gather3A_145 : vector<16xf32>
    %xor3A_147 = arith.constant 2 : i32
    %xor3A_148 = vector.broadcast %xor3A_147 : i32 to vector<16xi32>
    %xor3A_149 = arith.xori %iota3A_132, %xor3A_148 : vector<16xi32>
    %broadcast_in_dim3A_150 = vector.shape_cast %xor3A_149 : vector<16xi32> to vector<16x1xi32>
    %gather3A_151 = vector.shape_cast %broadcast_in_dim3A_150 : vector<16x1xi32> to vector<16xi32>
    %gather3A_152 = tpu.dynamic_gather %add3A_146[%gather3A_151] in [0] : vector<16xf32>, vector<16xi32> -> vector<16xf32>
    %add3A_153 = arith.addf %add3A_146, %gather3A_152 : vector<16xf32>
    %xor3A_154 = arith.constant 1 : i32
    %xor3A_155 = vector.broadcast %xor3A_154 : i32 to vector<16xi32>
    %xor3A_156 = arith.xori %iota3A_132, %xor3A_155 : vector<16xi32>
    %broadcast_in_dim3A_157 = vector.shape_cast %xor3A_156 : vector<16xi32> to vector<16x1xi32>
    %gather3A_158 = vector.shape_cast %broadcast_in_dim3A_157 : vector<16x1xi32> to vector<16xi32>
    %gather3A_159 = tpu.dynamic_gather %add3A_153[%gather3A_158] in [0] : vector<16xf32>, vector<16xi32> -> vector<16xf32>
    %add3A_160 = arith.addf %add3A_153, %gather3A_159 : vector<16xf32>
    %div3A_161 = arith.constant 1.000000e+00 : f32
    %div3A_162 = vector.broadcast %div3A_161 : f32 to vector<16xf32>
    %div3A_163 = arith.divf %div3A_162, %add3A_160 : vector<16xf32>
    %dma_wait3A_164 = tpu.memref_slice %arg2[%mul3A_2] : memref<81920xi32, #tpu.memory_space<hbm>> -> memref<2560xi32, #tpu.memory_space<hbm>>
    %dma_wait3A_165 = tpu.memref_slice %arg2[%mul3A_2] : memref<81920xi32, #tpu.memory_space<hbm>> -> memref<2560xi32, #tpu.memory_space<hbm>>
    tpu.wait_dma2 semaphore(%arg17 : memref<!tpu.dma_semaphore, #tpu.memory_space<semaphore_mem>>) src(%dma_wait3A_165 : memref<2560xi32, #tpu.memory_space<hbm>>) dst(%arg12 : memref<2560xi32, #tpu.memory_space<vmem>>)
    %scan3A = arith.constant 0 : i32
    %scan3A_166 = arith.constant 0 : i32
    %scan3A_167 = arith.constant 40 : i32
    %scan3A_168 = arith.addi %scan3A_166, %scan3A_167 : i32
    %scan3A_169 = arith.constant 8 : i32
    scf.for %scan3A_257 = %scan3A_166 to %scan3A_168 step %scan3A_169  : i32 {
      %mul3A_258 = arith.constant 16 : i32
      %mul3A_259 = arith.muli %scan3A_257, %mul3A_258 : i32
      %get3A_260 = arith.index_cast %mul3A_259 : i32 to index
      %get3A_261 = tpu.vector_load %arg12[%get3A_260] {strides = array<i32>} : memref<2560xi32, #tpu.memory_space<vmem>>, vector<16xi32>,
      %gather3A_262 = tpu.vector_load_idx %arg10[%get3A_261] : memref<64xf32, #tpu.memory_space<vmem>>[vector<16xi32>], vector<16xf32>,
      %mul3A_263 = arith.mulf %gather3A_262, %div3A_112 : vector<16xf32>
      %mul3A_264 = arith.constant 16 : i32
      %mul3A_265 = arith.muli %scan3A_257, %mul3A_264 : i32
      %swap3A = arith.index_cast %mul3A_265 : i32 to index
      %swap3A_266 = tpu.vector_load %arg13[%swap3A] {strides = array<i32>} : memref<2560xf32, #tpu.memory_space<vmem>>, vector<16xf32>,
      tpu.vector_store %arg13[%swap3A], %mul3A_263 {strides = array<i32>} : memref<2560xf32, #tpu.memory_space<vmem>>, vector<16xf32>,
      %scan3A_267 = arith.constant 1 : i32
      %scan3A_268 = arith.addi %scan3A_257, %scan3A_267 : i32
      %mul3A_269 = arith.constant 16 : i32
      %mul3A_270 = arith.muli %scan3A_268, %mul3A_269 : i32
      %get3A_271 = arith.index_cast %mul3A_270 : i32 to index
      %get3A_272 = tpu.vector_load %arg12[%get3A_271] {strides = array<i32>} : memref<2560xi32, #tpu.memory_space<vmem>>, vector<16xi32>,
      %gather3A_273 = tpu.vector_load_idx %arg10[%get3A_272] : memref<64xf32, #tpu.memory_space<vmem>>[vector<16xi32>], vector<16xf32>,
      %mul3A_274 = arith.mulf %gather3A_273, %div3A_112 : vector<16xf32>
      %mul3A_275 = arith.constant 16 : i32
      %mul3A_276 = arith.muli %scan3A_268, %mul3A_275 : i32
      %swap3A_277 = arith.index_cast %mul3A_276 : i32 to index
      %swap3A_278 = tpu.vector_load %arg13[%swap3A_277] {strides = array<i32>} : memref<2560xf32, #tpu.memory_space<vmem>>, vector<16xf32>,
      tpu.vector_store %arg13[%swap3A_277], %mul3A_274 {strides = array<i32>} : memref<2560xf32, #tpu.memory_space<vmem>>, vector<16xf32>,
      %scan3A_279 = arith.constant 2 : i32
      %scan3A_280 = arith.addi %scan3A_257, %scan3A_279 : i32
      %mul3A_281 = arith.constant 16 : i32
      %mul3A_282 = arith.muli %scan3A_280, %mul3A_281 : i32
      %get3A_283 = arith.index_cast %mul3A_282 : i32 to index
      %get3A_284 = tpu.vector_load %arg12[%get3A_283] {strides = array<i32>} : memref<2560xi32, #tpu.memory_space<vmem>>, vector<16xi32>,
      %gather3A_285 = tpu.vector_load_idx %arg10[%get3A_284] : memref<64xf32, #tpu.memory_space<vmem>>[vector<16xi32>], vector<16xf32>,
      %mul3A_286 = arith.mulf %gather3A_285, %div3A_112 : vector<16xf32>
      %mul3A_287 = arith.constant 16 : i32
      %mul3A_288 = arith.muli %scan3A_280, %mul3A_287 : i32
      %swap3A_289 = arith.index_cast %mul3A_288 : i32 to index
      %swap3A_290 = tpu.vector_load %arg13[%swap3A_289] {strides = array<i32>} : memref<2560xf32, #tpu.memory_space<vmem>>, vector<16xf32>,
      tpu.vector_store %arg13[%swap3A_289], %mul3A_286 {strides = array<i32>} : memref<2560xf32, #tpu.memory_space<vmem>>, vector<16xf32>,
      %scan3A_291 = arith.constant 3 : i32
      %scan3A_292 = arith.addi %scan3A_257, %scan3A_291 : i32
      %mul3A_293 = arith.constant 16 : i32
      %mul3A_294 = arith.muli %scan3A_292, %mul3A_293 : i32
      %get3A_295 = arith.index_cast %mul3A_294 : i32 to index
      %get3A_296 = tpu.vector_load %arg12[%get3A_295] {strides = array<i32>} : memref<2560xi32, #tpu.memory_space<vmem>>, vector<16xi32>,
      %gather3A_297 = tpu.vector_load_idx %arg10[%get3A_296] : memref<64xf32, #tpu.memory_space<vmem>>[vector<16xi32>], vector<16xf32>,
      %mul3A_298 = arith.mulf %gather3A_297, %div3A_112 : vector<16xf32>
      %mul3A_299 = arith.constant 16 : i32
      %mul3A_300 = arith.muli %scan3A_292, %mul3A_299 : i32
      %swap3A_301 = arith.index_cast %mul3A_300 : i32 to index
      %swap3A_302 = tpu.vector_load %arg13[%swap3A_301] {strides = array<i32>} : memref<2560xf32, #tpu.memory_space<vmem>>, vector<16xf32>,
      tpu.vector_store %arg13[%swap3A_301], %mul3A_298 {strides = array<i32>} : memref<2560xf32, #tpu.memory_space<vmem>>, vector<16xf32>,
      %scan3A_303 = arith.constant 4 : i32
      %scan3A_304 = arith.addi %scan3A_257, %scan3A_303 : i32
      %mul3A_305 = arith.constant 16 : i32
      %mul3A_306 = arith.muli %scan3A_304, %mul3A_305 : i32
      %get3A_307 = arith.index_cast %mul3A_306 : i32 to index
      %get3A_308 = tpu.vector_load %arg12[%get3A_307] {strides = array<i32>} : memref<2560xi32, #tpu.memory_space<vmem>>, vector<16xi32>,
      %gather3A_309 = tpu.vector_load_idx %arg10[%get3A_308] : memref<64xf32, #tpu.memory_space<vmem>>[vector<16xi32>], vector<16xf32>,
      %mul3A_310 = arith.mulf %gather3A_309, %div3A_112 : vector<16xf32>
      %mul3A_311 = arith.constant 16 : i32
      %mul3A_312 = arith.muli %scan3A_304, %mul3A_311 : i32
      %swap3A_313 = arith.index_cast %mul3A_312 : i32 to index
      %swap3A_314 = tpu.vector_load %arg13[%swap3A_313] {strides = array<i32>} : memref<2560xf32, #tpu.memory_space<vmem>>, vector<16xf32>,
      tpu.vector_store %arg13[%swap3A_313], %mul3A_310 {strides = array<i32>} : memref<2560xf32, #tpu.memory_space<vmem>>, vector<16xf32>,
      %scan3A_315 = arith.constant 5 : i32
      %scan3A_316 = arith.addi %scan3A_257, %scan3A_315 : i32
      %mul3A_317 = arith.constant 16 : i32
      %mul3A_318 = arith.muli %scan3A_316, %mul3A_317 : i32
      %get3A_319 = arith.index_cast %mul3A_318 : i32 to index
      %get3A_320 = tpu.vector_load %arg12[%get3A_319] {strides = array<i32>} : memref<2560xi32, #tpu.memory_space<vmem>>, vector<16xi32>,
      %gather3A_321 = tpu.vector_load_idx %arg10[%get3A_320] : memref<64xf32, #tpu.memory_space<vmem>>[vector<16xi32>], vector<16xf32>,
      %mul3A_322 = arith.mulf %gather3A_321, %div3A_112 : vector<16xf32>
      %mul3A_323 = arith.constant 16 : i32
      %mul3A_324 = arith.muli %scan3A_316, %mul3A_323 : i32
      %swap3A_325 = arith.index_cast %mul3A_324 : i32 to index
      %swap3A_326 = tpu.vector_load %arg13[%swap3A_325] {strides = array<i32>} : memref<2560xf32, #tpu.memory_space<vmem>>, vector<16xf32>,
      tpu.vector_store %arg13[%swap3A_325], %mul3A_322 {strides = array<i32>} : memref<2560xf32, #tpu.memory_space<vmem>>, vector<16xf32>,
      %scan3A_327 = arith.constant 6 : i32
      %scan3A_328 = arith.addi %scan3A_257, %scan3A_327 : i32
      %mul3A_329 = arith.constant 16 : i32
      %mul3A_330 = arith.muli %scan3A_328, %mul3A_329 : i32
      %get3A_331 = arith.index_cast %mul3A_330 : i32 to index
      %get3A_332 = tpu.vector_load %arg12[%get3A_331] {strides = array<i32>} : memref<2560xi32, #tpu.memory_space<vmem>>, vector<16xi32>,
      %gather3A_333 = tpu.vector_load_idx %arg10[%get3A_332] : memref<64xf32, #tpu.memory_space<vmem>>[vector<16xi32>], vector<16xf32>,
      %mul3A_334 = arith.mulf %gather3A_333, %div3A_112 : vector<16xf32>
      %mul3A_335 = arith.constant 16 : i32
      %mul3A_336 = arith.muli %scan3A_328, %mul3A_335 : i32
      %swap3A_337 = arith.index_cast %mul3A_336 : i32 to index
      %swap3A_338 = tpu.vector_load %arg13[%swap3A_337] {strides = array<i32>} : memref<2560xf32, #tpu.memory_space<vmem>>, vector<16xf32>,
      tpu.vector_store %arg13[%swap3A_337], %mul3A_334 {strides = array<i32>} : memref<2560xf32, #tpu.memory_space<vmem>>, vector<16xf32>,
      %scan3A_339 = arith.constant 7 : i32
      %scan3A_340 = arith.addi %scan3A_257, %scan3A_339 : i32
      %mul3A_341 = arith.constant 16 : i32
      %mul3A_342 = arith.muli %scan3A_340, %mul3A_341 : i32
      %get3A_343 = arith.index_cast %mul3A_342 : i32 to index
      %get3A_344 = tpu.vector_load %arg12[%get3A_343] {strides = array<i32>} : memref<2560xi32, #tpu.memory_space<vmem>>, vector<16xi32>,
      %gather3A_345 = tpu.vector_load_idx %arg10[%get3A_344] : memref<64xf32, #tpu.memory_space<vmem>>[vector<16xi32>], vector<16xf32>,
      %mul3A_346 = arith.mulf %gather3A_345, %div3A_112 : vector<16xf32>
      %mul3A_347 = arith.constant 16 : i32
      %mul3A_348 = arith.muli %scan3A_340, %mul3A_347 : i32
      %swap3A_349 = arith.index_cast %mul3A_348 : i32 to index
      %swap3A_350 = tpu.vector_load %arg13[%swap3A_349] {strides = array<i32>} : memref<2560xf32, #tpu.memory_space<vmem>>, vector<16xf32>,
      tpu.vector_store %arg13[%swap3A_349], %mul3A_346 {strides = array<i32>} : memref<2560xf32, #tpu.memory_space<vmem>>, vector<16xf32>,
    }
    %scan3A_170 = arith.constant 40 : i32
    %add3A_171 = arith.constant 0 : i32
    %add3A_172 = arith.addi %mul3A_2, %add3A_171 : i32
    %dma_start3A_173 = arith.constant 0 : i32
    %dma_start3A_174 = tpu.memref_slice %arg13[%dma_start3A_173] : memref<2560xf32, #tpu.memory_space<vmem>> -> memref<640xf32, #tpu.memory_space<vmem>>
    %dma_start3A_175 = tpu.memref_slice %arg6[%add3A_172] : memref<81920xf32, #tpu.memory_space<hbm>> -> memref<640xf32, #tpu.memory_space<hbm>>
    %dma_start3A_176 = tpu.memref_slice %arg6[%add3A_172] : memref<81920xf32, #tpu.memory_space<hbm>> -> memref<640xf32, #tpu.memory_space<hbm>>
    %dma_start3A_177 = arith.constant 0 : i32
    %dma_start3A_178 = tpu.memref_slice %arg13[%dma_start3A_177] : memref<2560xf32, #tpu.memory_space<vmem>> -> memref<640xf32, #tpu.memory_space<vmem>>
    tpu.enqueue_dma source(%dma_start3A_178 : memref<640xf32, #tpu.memory_space<vmem>>) target(%dma_start3A_176 : memref<640xf32, #tpu.memory_space<hbm>>) target_semaphore(%arg19 : memref<!tpu.dma_semaphore, #tpu.memory_space<semaphore_mem>>)
    %scan3A_179 = arith.constant 0 : i32
    %scan3A_180 = arith.constant 40 : i32
    %scan3A_181 = arith.constant 40 : i32
    %scan3A_182 = arith.addi %scan3A_180, %scan3A_181 : i32
    %scan3A_183 = arith.constant 8 : i32
    scf.for %scan3A_257 = %scan3A_180 to %scan3A_182 step %scan3A_183  : i32 {
      %mul3A_258 = arith.constant 16 : i32
      %mul3A_259 = arith.muli %scan3A_257, %mul3A_258 : i32
      %get3A_260 = arith.index_cast %mul3A_259 : i32 to index
      %get3A_261 = tpu.vector_load %arg12[%get3A_260] {strides = array<i32>} : memref<2560xi32, #tpu.memory_space<vmem>>, vector<16xi32>,
      %gather3A_262 = tpu.vector_load_idx %arg10[%get3A_261] : memref<64xf32, #tpu.memory_space<vmem>>[vector<16xi32>], vector<16xf32>,
      %mul3A_263 = arith.mulf %gather3A_262, %div3A_112 : vector<16xf32>
      %mul3A_264 = arith.constant 16 : i32
      %mul3A_265 = arith.muli %scan3A_257, %mul3A_264 : i32
      %swap3A = arith.index_cast %mul3A_265 : i32 to index
      %swap3A_266 = tpu.vector_load %arg13[%swap3A] {strides = array<i32>} : memref<2560xf32, #tpu.memory_space<vmem>>, vector<16xf32>,
      tpu.vector_store %arg13[%swap3A], %mul3A_263 {strides = array<i32>} : memref<2560xf32, #tpu.memory_space<vmem>>, vector<16xf32>,
      %scan3A_267 = arith.constant 1 : i32
      %scan3A_268 = arith.addi %scan3A_257, %scan3A_267 : i32
      %mul3A_269 = arith.constant 16 : i32
      %mul3A_270 = arith.muli %scan3A_268, %mul3A_269 : i32
      %get3A_271 = arith.index_cast %mul3A_270 : i32 to index
      %get3A_272 = tpu.vector_load %arg12[%get3A_271] {strides = array<i32>} : memref<2560xi32, #tpu.memory_space<vmem>>, vector<16xi32>,
      %gather3A_273 = tpu.vector_load_idx %arg10[%get3A_272] : memref<64xf32, #tpu.memory_space<vmem>>[vector<16xi32>], vector<16xf32>,
      %mul3A_274 = arith.mulf %gather3A_273, %div3A_112 : vector<16xf32>
      %mul3A_275 = arith.constant 16 : i32
      %mul3A_276 = arith.muli %scan3A_268, %mul3A_275 : i32
      %swap3A_277 = arith.index_cast %mul3A_276 : i32 to index
      %swap3A_278 = tpu.vector_load %arg13[%swap3A_277] {strides = array<i32>} : memref<2560xf32, #tpu.memory_space<vmem>>, vector<16xf32>,
      tpu.vector_store %arg13[%swap3A_277], %mul3A_274 {strides = array<i32>} : memref<2560xf32, #tpu.memory_space<vmem>>, vector<16xf32>,
      %scan3A_279 = arith.constant 2 : i32
      %scan3A_280 = arith.addi %scan3A_257, %scan3A_279 : i32
      %mul3A_281 = arith.constant 16 : i32
      %mul3A_282 = arith.muli %scan3A_280, %mul3A_281 : i32
      %get3A_283 = arith.index_cast %mul3A_282 : i32 to index
      %get3A_284 = tpu.vector_load %arg12[%get3A_283] {strides = array<i32>} : memref<2560xi32, #tpu.memory_space<vmem>>, vector<16xi32>,
      %gather3A_285 = tpu.vector_load_idx %arg10[%get3A_284] : memref<64xf32, #tpu.memory_space<vmem>>[vector<16xi32>], vector<16xf32>,
      %mul3A_286 = arith.mulf %gather3A_285, %div3A_112 : vector<16xf32>
      %mul3A_287 = arith.constant 16 : i32
      %mul3A_288 = arith.muli %scan3A_280, %mul3A_287 : i32
      %swap3A_289 = arith.index_cast %mul3A_288 : i32 to index
      %swap3A_290 = tpu.vector_load %arg13[%swap3A_289] {strides = array<i32>} : memref<2560xf32, #tpu.memory_space<vmem>>, vector<16xf32>,
      tpu.vector_store %arg13[%swap3A_289], %mul3A_286 {strides = array<i32>} : memref<2560xf32, #tpu.memory_space<vmem>>, vector<16xf32>,
      %scan3A_291 = arith.constant 3 : i32
      %scan3A_292 = arith.addi %scan3A_257, %scan3A_291 : i32
      %mul3A_293 = arith.constant 16 : i32
      %mul3A_294 = arith.muli %scan3A_292, %mul3A_293 : i32
      %get3A_295 = arith.index_cast %mul3A_294 : i32 to index
      %get3A_296 = tpu.vector_load %arg12[%get3A_295] {strides = array<i32>} : memref<2560xi32, #tpu.memory_space<vmem>>, vector<16xi32>,
      %gather3A_297 = tpu.vector_load_idx %arg10[%get3A_296] : memref<64xf32, #tpu.memory_space<vmem>>[vector<16xi32>], vector<16xf32>,
      %mul3A_298 = arith.mulf %gather3A_297, %div3A_112 : vector<16xf32>
      %mul3A_299 = arith.constant 16 : i32
      %mul3A_300 = arith.muli %scan3A_292, %mul3A_299 : i32
      %swap3A_301 = arith.index_cast %mul3A_300 : i32 to index
      %swap3A_302 = tpu.vector_load %arg13[%swap3A_301] {strides = array<i32>} : memref<2560xf32, #tpu.memory_space<vmem>>, vector<16xf32>,
      tpu.vector_store %arg13[%swap3A_301], %mul3A_298 {strides = array<i32>} : memref<2560xf32, #tpu.memory_space<vmem>>, vector<16xf32>,
      %scan3A_303 = arith.constant 4 : i32
      %scan3A_304 = arith.addi %scan3A_257, %scan3A_303 : i32
      %mul3A_305 = arith.constant 16 : i32
      %mul3A_306 = arith.muli %scan3A_304, %mul3A_305 : i32
      %get3A_307 = arith.index_cast %mul3A_306 : i32 to index
      %get3A_308 = tpu.vector_load %arg12[%get3A_307] {strides = array<i32>} : memref<2560xi32, #tpu.memory_space<vmem>>, vector<16xi32>,
      %gather3A_309 = tpu.vector_load_idx %arg10[%get3A_308] : memref<64xf32, #tpu.memory_space<vmem>>[vector<16xi32>], vector<16xf32>,
      %mul3A_310 = arith.mulf %gather3A_309, %div3A_112 : vector<16xf32>
      %mul3A_311 = arith.constant 16 : i32
      %mul3A_312 = arith.muli %scan3A_304, %mul3A_311 : i32
      %swap3A_313 = arith.index_cast %mul3A_312 : i32 to index
      %swap3A_314 = tpu.vector_load %arg13[%swap3A_313] {strides = array<i32>} : memref<2560xf32, #tpu.memory_space<vmem>>, vector<16xf32>,
      tpu.vector_store %arg13[%swap3A_313], %mul3A_310 {strides = array<i32>} : memref<2560xf32, #tpu.memory_space<vmem>>, vector<16xf32>,
      %scan3A_315 = arith.constant 5 : i32
      %scan3A_316 = arith.addi %scan3A_257, %scan3A_315 : i32
      %mul3A_317 = arith.constant 16 : i32
      %mul3A_318 = arith.muli %scan3A_316, %mul3A_317 : i32
      %get3A_319 = arith.index_cast %mul3A_318 : i32 to index
      %get3A_320 = tpu.vector_load %arg12[%get3A_319] {strides = array<i32>} : memref<2560xi32, #tpu.memory_space<vmem>>, vector<16xi32>,
      %gather3A_321 = tpu.vector_load_idx %arg10[%get3A_320] : memref<64xf32, #tpu.memory_space<vmem>>[vector<16xi32>], vector<16xf32>,
      %mul3A_322 = arith.mulf %gather3A_321, %div3A_112 : vector<16xf32>
      %mul3A_323 = arith.constant 16 : i32
      %mul3A_324 = arith.muli %scan3A_316, %mul3A_323 : i32
      %swap3A_325 = arith.index_cast %mul3A_324 : i32 to index
      %swap3A_326 = tpu.vector_load %arg13[%swap3A_325] {strides = array<i32>} : memref<2560xf32, #tpu.memory_space<vmem>>, vector<16xf32>,
      tpu.vector_store %arg13[%swap3A_325], %mul3A_322 {strides = array<i32>} : memref<2560xf32, #tpu.memory_space<vmem>>, vector<16xf32>,
      %scan3A_327 = arith.constant 6 : i32
      %scan3A_328 = arith.addi %scan3A_257, %scan3A_327 : i32
      %mul3A_329 = arith.constant 16 : i32
      %mul3A_330 = arith.muli %scan3A_328, %mul3A_329 : i32
      %get3A_331 = arith.index_cast %mul3A_330 : i32 to index
      %get3A_332 = tpu.vector_load %arg12[%get3A_331] {strides = array<i32>} : memref<2560xi32, #tpu.memory_space<vmem>>, vector<16xi32>,
      %gather3A_333 = tpu.vector_load_idx %arg10[%get3A_332] : memref<64xf32, #tpu.memory_space<vmem>>[vector<16xi32>], vector<16xf32>,
      %mul3A_334 = arith.mulf %gather3A_333, %div3A_112 : vector<16xf32>
      %mul3A_335 = arith.constant 16 : i32
      %mul3A_336 = arith.muli %scan3A_328, %mul3A_335 : i32
      %swap3A_337 = arith.index_cast %mul3A_336 : i32 to index
      %swap3A_338 = tpu.vector_load %arg13[%swap3A_337] {strides = array<i32>} : memref<2560xf32, #tpu.memory_space<vmem>>, vector<16xf32>,
      tpu.vector_store %arg13[%swap3A_337], %mul3A_334 {strides = array<i32>} : memref<2560xf32, #tpu.memory_space<vmem>>, vector<16xf32>,
      %scan3A_339 = arith.constant 7 : i32
      %scan3A_340 = arith.addi %scan3A_257, %scan3A_339 : i32
      %mul3A_341 = arith.constant 16 : i32
      %mul3A_342 = arith.muli %scan3A_340, %mul3A_341 : i32
      %get3A_343 = arith.index_cast %mul3A_342 : i32 to index
      %get3A_344 = tpu.vector_load %arg12[%get3A_343] {strides = array<i32>} : memref<2560xi32, #tpu.memory_space<vmem>>, vector<16xi32>,
      %gather3A_345 = tpu.vector_load_idx %arg10[%get3A_344] : memref<64xf32, #tpu.memory_space<vmem>>[vector<16xi32>], vector<16xf32>,
      %mul3A_346 = arith.mulf %gather3A_345, %div3A_112 : vector<16xf32>
      %mul3A_347 = arith.constant 16 : i32
      %mul3A_348 = arith.muli %scan3A_340, %mul3A_347 : i32
      %swap3A_349 = arith.index_cast %mul3A_348 : i32 to index
      %swap3A_350 = tpu.vector_load %arg13[%swap3A_349] {strides = array<i32>} : memref<2560xf32, #tpu.memory_space<vmem>>, vector<16xf32>,
      tpu.vector_store %arg13[%swap3A_349], %mul3A_346 {strides = array<i32>} : memref<2560xf32, #tpu.memory_space<vmem>>, vector<16xf32>,
    }
    %scan3A_184 = arith.constant 40 : i32
    %add3A_185 = arith.constant 640 : i32
    %add3A_186 = arith.addi %mul3A_2, %add3A_185 : i32
    %dma_start3A_187 = arith.constant 640 : i32
    %dma_start3A_188 = tpu.memref_slice %arg13[%dma_start3A_187] : memref<2560xf32, #tpu.memory_space<vmem>> -> memref<640xf32, #tpu.memory_space<vmem>>
    %dma_start3A_189 = tpu.memref_slice %arg6[%add3A_186] : memref<81920xf32, #tpu.memory_space<hbm>> -> memref<640xf32, #tpu.memory_space<hbm>>
    %dma_start3A_190 = tpu.memref_slice %arg6[%add3A_186] : memref<81920xf32, #tpu.memory_space<hbm>> -> memref<640xf32, #tpu.memory_space<hbm>>
    %dma_start3A_191 = arith.constant 640 : i32
    %dma_start3A_192 = tpu.memref_slice %arg13[%dma_start3A_191] : memref<2560xf32, #tpu.memory_space<vmem>> -> memref<640xf32, #tpu.memory_space<vmem>>
    tpu.enqueue_dma source(%dma_start3A_192 : memref<640xf32, #tpu.memory_space<vmem>>) target(%dma_start3A_190 : memref<640xf32, #tpu.memory_space<hbm>>) target_semaphore(%arg19 : memref<!tpu.dma_semaphore, #tpu.memory_space<semaphore_mem>>)
    %scan3A_193 = arith.constant 0 : i32
    %scan3A_194 = arith.constant 80 : i32
    %scan3A_195 = arith.constant 40 : i32
    %scan3A_196 = arith.addi %scan3A_194, %scan3A_195 : i32
    %scan3A_197 = arith.constant 8 : i32
    scf.for %scan3A_257 = %scan3A_194 to %scan3A_196 step %scan3A_197  : i32 {
      %mul3A_258 = arith.constant 16 : i32
      %mul3A_259 = arith.muli %scan3A_257, %mul3A_258 : i32
      %get3A_260 = arith.index_cast %mul3A_259 : i32 to index
      %get3A_261 = tpu.vector_load %arg12[%get3A_260] {strides = array<i32>} : memref<2560xi32, #tpu.memory_space<vmem>>, vector<16xi32>,
      %gather3A_262 = tpu.vector_load_idx %arg10[%get3A_261] : memref<64xf32, #tpu.memory_space<vmem>>[vector<16xi32>], vector<16xf32>,
      %mul3A_263 = arith.mulf %gather3A_262, %div3A_112 : vector<16xf32>
      %mul3A_264 = arith.constant 16 : i32
      %mul3A_265 = arith.muli %scan3A_257, %mul3A_264 : i32
      %swap3A = arith.index_cast %mul3A_265 : i32 to index
      %swap3A_266 = tpu.vector_load %arg13[%swap3A] {strides = array<i32>} : memref<2560xf32, #tpu.memory_space<vmem>>, vector<16xf32>,
      tpu.vector_store %arg13[%swap3A], %mul3A_263 {strides = array<i32>} : memref<2560xf32, #tpu.memory_space<vmem>>, vector<16xf32>,
      %scan3A_267 = arith.constant 1 : i32
      %scan3A_268 = arith.addi %scan3A_257, %scan3A_267 : i32
      %mul3A_269 = arith.constant 16 : i32
      %mul3A_270 = arith.muli %scan3A_268, %mul3A_269 : i32
      %get3A_271 = arith.index_cast %mul3A_270 : i32 to index
      %get3A_272 = tpu.vector_load %arg12[%get3A_271] {strides = array<i32>} : memref<2560xi32, #tpu.memory_space<vmem>>, vector<16xi32>,
      %gather3A_273 = tpu.vector_load_idx %arg10[%get3A_272] : memref<64xf32, #tpu.memory_space<vmem>>[vector<16xi32>], vector<16xf32>,
      %mul3A_274 = arith.mulf %gather3A_273, %div3A_112 : vector<16xf32>
      %mul3A_275 = arith.constant 16 : i32
      %mul3A_276 = arith.muli %scan3A_268, %mul3A_275 : i32
      %swap3A_277 = arith.index_cast %mul3A_276 : i32 to index
      %swap3A_278 = tpu.vector_load %arg13[%swap3A_277] {strides = array<i32>} : memref<2560xf32, #tpu.memory_space<vmem>>, vector<16xf32>,
      tpu.vector_store %arg13[%swap3A_277], %mul3A_274 {strides = array<i32>} : memref<2560xf32, #tpu.memory_space<vmem>>, vector<16xf32>,
      %scan3A_279 = arith.constant 2 : i32
      %scan3A_280 = arith.addi %scan3A_257, %scan3A_279 : i32
      %mul3A_281 = arith.constant 16 : i32
      %mul3A_282 = arith.muli %scan3A_280, %mul3A_281 : i32
      %get3A_283 = arith.index_cast %mul3A_282 : i32 to index
      %get3A_284 = tpu.vector_load %arg12[%get3A_283] {strides = array<i32>} : memref<2560xi32, #tpu.memory_space<vmem>>, vector<16xi32>,
      %gather3A_285 = tpu.vector_load_idx %arg10[%get3A_284] : memref<64xf32, #tpu.memory_space<vmem>>[vector<16xi32>], vector<16xf32>,
      %mul3A_286 = arith.mulf %gather3A_285, %div3A_112 : vector<16xf32>
      %mul3A_287 = arith.constant 16 : i32
      %mul3A_288 = arith.muli %scan3A_280, %mul3A_287 : i32
      %swap3A_289 = arith.index_cast %mul3A_288 : i32 to index
      %swap3A_290 = tpu.vector_load %arg13[%swap3A_289] {strides = array<i32>} : memref<2560xf32, #tpu.memory_space<vmem>>, vector<16xf32>,
      tpu.vector_store %arg13[%swap3A_289], %mul3A_286 {strides = array<i32>} : memref<2560xf32, #tpu.memory_space<vmem>>, vector<16xf32>,
      %scan3A_291 = arith.constant 3 : i32
      %scan3A_292 = arith.addi %scan3A_257, %scan3A_291 : i32
      %mul3A_293 = arith.constant 16 : i32
      %mul3A_294 = arith.muli %scan3A_292, %mul3A_293 : i32
      %get3A_295 = arith.index_cast %mul3A_294 : i32 to index
      %get3A_296 = tpu.vector_load %arg12[%get3A_295] {strides = array<i32>} : memref<2560xi32, #tpu.memory_space<vmem>>, vector<16xi32>,
      %gather3A_297 = tpu.vector_load_idx %arg10[%get3A_296] : memref<64xf32, #tpu.memory_space<vmem>>[vector<16xi32>], vector<16xf32>,
      %mul3A_298 = arith.mulf %gather3A_297, %div3A_112 : vector<16xf32>
      %mul3A_299 = arith.constant 16 : i32
      %mul3A_300 = arith.muli %scan3A_292, %mul3A_299 : i32
      %swap3A_301 = arith.index_cast %mul3A_300 : i32 to index
      %swap3A_302 = tpu.vector_load %arg13[%swap3A_301] {strides = array<i32>} : memref<2560xf32, #tpu.memory_space<vmem>>, vector<16xf32>,
      tpu.vector_store %arg13[%swap3A_301], %mul3A_298 {strides = array<i32>} : memref<2560xf32, #tpu.memory_space<vmem>>, vector<16xf32>,
      %scan3A_303 = arith.constant 4 : i32
      %scan3A_304 = arith.addi %scan3A_257, %scan3A_303 : i32
      %mul3A_305 = arith.constant 16 : i32
      %mul3A_306 = arith.muli %scan3A_304, %mul3A_305 : i32
      %get3A_307 = arith.index_cast %mul3A_306 : i32 to index
      %get3A_308 = tpu.vector_load %arg12[%get3A_307] {strides = array<i32>} : memref<2560xi32, #tpu.memory_space<vmem>>, vector<16xi32>,
      %gather3A_309 = tpu.vector_load_idx %arg10[%get3A_308] : memref<64xf32, #tpu.memory_space<vmem>>[vector<16xi32>], vector<16xf32>,
      %mul3A_310 = arith.mulf %gather3A_309, %div3A_112 : vector<16xf32>
      %mul3A_311 = arith.constant 16 : i32
      %mul3A_312 = arith.muli %scan3A_304, %mul3A_311 : i32
      %swap3A_313 = arith.index_cast %mul3A_312 : i32 to index
      %swap3A_314 = tpu.vector_load %arg13[%swap3A_313] {strides = array<i32>} : memref<2560xf32, #tpu.memory_space<vmem>>, vector<16xf32>,
      tpu.vector_store %arg13[%swap3A_313], %mul3A_310 {strides = array<i32>} : memref<2560xf32, #tpu.memory_space<vmem>>, vector<16xf32>,
      %scan3A_315 = arith.constant 5 : i32
      %scan3A_316 = arith.addi %scan3A_257, %scan3A_315 : i32
      %mul3A_317 = arith.constant 16 : i32
      %mul3A_318 = arith.muli %scan3A_316, %mul3A_317 : i32
      %get3A_319 = arith.index_cast %mul3A_318 : i32 to index
      %get3A_320 = tpu.vector_load %arg12[%get3A_319] {strides = array<i32>} : memref<2560xi32, #tpu.memory_space<vmem>>, vector<16xi32>,
      %gather3A_321 = tpu.vector_load_idx %arg10[%get3A_320] : memref<64xf32, #tpu.memory_space<vmem>>[vector<16xi32>], vector<16xf32>,
      %mul3A_322 = arith.mulf %gather3A_321, %div3A_112 : vector<16xf32>
      %mul3A_323 = arith.constant 16 : i32
      %mul3A_324 = arith.muli %scan3A_316, %mul3A_323 : i32
      %swap3A_325 = arith.index_cast %mul3A_324 : i32 to index
      %swap3A_326 = tpu.vector_load %arg13[%swap3A_325] {strides = array<i32>} : memref<2560xf32, #tpu.memory_space<vmem>>, vector<16xf32>,
      tpu.vector_store %arg13[%swap3A_325], %mul3A_322 {strides = array<i32>} : memref<2560xf32, #tpu.memory_space<vmem>>, vector<16xf32>,
      %scan3A_327 = arith.constant 6 : i32
      %scan3A_328 = arith.addi %scan3A_257, %scan3A_327 : i32
      %mul3A_329 = arith.constant 16 : i32
      %mul3A_330 = arith.muli %scan3A_328, %mul3A_329 : i32
      %get3A_331 = arith.index_cast %mul3A_330 : i32 to index
      %get3A_332 = tpu.vector_load %arg12[%get3A_331] {strides = array<i32>} : memref<2560xi32, #tpu.memory_space<vmem>>, vector<16xi32>,
      %gather3A_333 = tpu.vector_load_idx %arg10[%get3A_332] : memref<64xf32, #tpu.memory_space<vmem>>[vector<16xi32>], vector<16xf32>,
      %mul3A_334 = arith.mulf %gather3A_333, %div3A_112 : vector<16xf32>
      %mul3A_335 = arith.constant 16 : i32
      %mul3A_336 = arith.muli %scan3A_328, %mul3A_335 : i32
      %swap3A_337 = arith.index_cast %mul3A_336 : i32 to index
      %swap3A_338 = tpu.vector_load %arg13[%swap3A_337] {strides = array<i32>} : memref<2560xf32, #tpu.memory_space<vmem>>, vector<16xf32>,
      tpu.vector_store %arg13[%swap3A_337], %mul3A_334 {strides = array<i32>} : memref<2560xf32, #tpu.memory_space<vmem>>, vector<16xf32>,
      %scan3A_339 = arith.constant 7 : i32
      %scan3A_340 = arith.addi %scan3A_257, %scan3A_339 : i32
      %mul3A_341 = arith.constant 16 : i32
      %mul3A_342 = arith.muli %scan3A_340, %mul3A_341 : i32
      %get3A_343 = arith.index_cast %mul3A_342 : i32 to index
      %get3A_344 = tpu.vector_load %arg12[%get3A_343] {strides = array<i32>} : memref<2560xi32, #tpu.memory_space<vmem>>, vector<16xi32>,
      %gather3A_345 = tpu.vector_load_idx %arg10[%get3A_344] : memref<64xf32, #tpu.memory_space<vmem>>[vector<16xi32>], vector<16xf32>,
      %mul3A_346 = arith.mulf %gather3A_345, %div3A_112 : vector<16xf32>
      %mul3A_347 = arith.constant 16 : i32
      %mul3A_348 = arith.muli %scan3A_340, %mul3A_347 : i32
      %swap3A_349 = arith.index_cast %mul3A_348 : i32 to index
      %swap3A_350 = tpu.vector_load %arg13[%swap3A_349] {strides = array<i32>} : memref<2560xf32, #tpu.memory_space<vmem>>, vector<16xf32>,
      tpu.vector_store %arg13[%swap3A_349], %mul3A_346 {strides = array<i32>} : memref<2560xf32, #tpu.memory_space<vmem>>, vector<16xf32>,
    }
    %scan3A_198 = arith.constant 40 : i32
    %add3A_199 = arith.constant 1280 : i32
    %add3A_200 = arith.addi %mul3A_2, %add3A_199 : i32
    %dma_start3A_201 = arith.constant 1280 : i32
    %dma_start3A_202 = tpu.memref_slice %arg13[%dma_start3A_201] : memref<2560xf32, #tpu.memory_space<vmem>> -> memref<640xf32, #tpu.memory_space<vmem>>
    %dma_start3A_203 = tpu.memref_slice %arg6[%add3A_200] : memref<81920xf32, #tpu.memory_space<hbm>> -> memref<640xf32, #tpu.memory_space<hbm>>
    %dma_start3A_204 = tpu.memref_slice %arg6[%add3A_200] : memref<81920xf32, #tpu.memory_space<hbm>> -> memref<640xf32, #tpu.memory_space<hbm>>
    %dma_start3A_205 = arith.constant 1280 : i32
    %dma_start3A_206 = tpu.memref_slice %arg13[%dma_start3A_205] : memref<2560xf32, #tpu.memory_space<vmem>> -> memref<640xf32, #tpu.memory_space<vmem>>
    tpu.enqueue_dma source(%dma_start3A_206 : memref<640xf32, #tpu.memory_space<vmem>>) target(%dma_start3A_204 : memref<640xf32, #tpu.memory_space<hbm>>) target_semaphore(%arg19 : memref<!tpu.dma_semaphore, #tpu.memory_space<semaphore_mem>>)
    %scan3A_207 = arith.constant 0 : i32
    %scan3A_208 = arith.constant 120 : i32
    %scan3A_209 = arith.constant 40 : i32
    %scan3A_210 = arith.addi %scan3A_208, %scan3A_209 : i32
    %scan3A_211 = arith.constant 8 : i32
    scf.for %scan3A_257 = %scan3A_208 to %scan3A_210 step %scan3A_211  : i32 {
      %mul3A_258 = arith.constant 16 : i32
      %mul3A_259 = arith.muli %scan3A_257, %mul3A_258 : i32
      %get3A_260 = arith.index_cast %mul3A_259 : i32 to index
      %get3A_261 = tpu.vector_load %arg12[%get3A_260] {strides = array<i32>} : memref<2560xi32, #tpu.memory_space<vmem>>, vector<16xi32>,
      %gather3A_262 = tpu.vector_load_idx %arg10[%get3A_261] : memref<64xf32, #tpu.memory_space<vmem>>[vector<16xi32>], vector<16xf32>,
      %mul3A_263 = arith.mulf %gather3A_262, %div3A_112 : vector<16xf32>
      %mul3A_264 = arith.constant 16 : i32
      %mul3A_265 = arith.muli %scan3A_257, %mul3A_264 : i32
      %swap3A = arith.index_cast %mul3A_265 : i32 to index
      %swap3A_266 = tpu.vector_load %arg13[%swap3A] {strides = array<i32>} : memref<2560xf32, #tpu.memory_space<vmem>>, vector<16xf32>,
      tpu.vector_store %arg13[%swap3A], %mul3A_263 {strides = array<i32>} : memref<2560xf32, #tpu.memory_space<vmem>>, vector<16xf32>,
      %scan3A_267 = arith.constant 1 : i32
      %scan3A_268 = arith.addi %scan3A_257, %scan3A_267 : i32
      %mul3A_269 = arith.constant 16 : i32
      %mul3A_270 = arith.muli %scan3A_268, %mul3A_269 : i32
      %get3A_271 = arith.index_cast %mul3A_270 : i32 to index
      %get3A_272 = tpu.vector_load %arg12[%get3A_271] {strides = array<i32>} : memref<2560xi32, #tpu.memory_space<vmem>>, vector<16xi32>,
      %gather3A_273 = tpu.vector_load_idx %arg10[%get3A_272] : memref<64xf32, #tpu.memory_space<vmem>>[vector<16xi32>], vector<16xf32>,
      %mul3A_274 = arith.mulf %gather3A_273, %div3A_112 : vector<16xf32>
      %mul3A_275 = arith.constant 16 : i32
      %mul3A_276 = arith.muli %scan3A_268, %mul3A_275 : i32
      %swap3A_277 = arith.index_cast %mul3A_276 : i32 to index
      %swap3A_278 = tpu.vector_load %arg13[%swap3A_277] {strides = array<i32>} : memref<2560xf32, #tpu.memory_space<vmem>>, vector<16xf32>,
      tpu.vector_store %arg13[%swap3A_277], %mul3A_274 {strides = array<i32>} : memref<2560xf32, #tpu.memory_space<vmem>>, vector<16xf32>,
      %scan3A_279 = arith.constant 2 : i32
      %scan3A_280 = arith.addi %scan3A_257, %scan3A_279 : i32
      %mul3A_281 = arith.constant 16 : i32
      %mul3A_282 = arith.muli %scan3A_280, %mul3A_281 : i32
      %get3A_283 = arith.index_cast %mul3A_282 : i32 to index
      %get3A_284 = tpu.vector_load %arg12[%get3A_283] {strides = array<i32>} : memref<2560xi32, #tpu.memory_space<vmem>>, vector<16xi32>,
      %gather3A_285 = tpu.vector_load_idx %arg10[%get3A_284] : memref<64xf32, #tpu.memory_space<vmem>>[vector<16xi32>], vector<16xf32>,
      %mul3A_286 = arith.mulf %gather3A_285, %div3A_112 : vector<16xf32>
      %mul3A_287 = arith.constant 16 : i32
      %mul3A_288 = arith.muli %scan3A_280, %mul3A_287 : i32
      %swap3A_289 = arith.index_cast %mul3A_288 : i32 to index
      %swap3A_290 = tpu.vector_load %arg13[%swap3A_289] {strides = array<i32>} : memref<2560xf32, #tpu.memory_space<vmem>>, vector<16xf32>,
      tpu.vector_store %arg13[%swap3A_289], %mul3A_286 {strides = array<i32>} : memref<2560xf32, #tpu.memory_space<vmem>>, vector<16xf32>,
      %scan3A_291 = arith.constant 3 : i32
      %scan3A_292 = arith.addi %scan3A_257, %scan3A_291 : i32
      %mul3A_293 = arith.constant 16 : i32
      %mul3A_294 = arith.muli %scan3A_292, %mul3A_293 : i32
      %get3A_295 = arith.index_cast %mul3A_294 : i32 to index
      %get3A_296 = tpu.vector_load %arg12[%get3A_295] {strides = array<i32>} : memref<2560xi32, #tpu.memory_space<vmem>>, vector<16xi32>,
      %gather3A_297 = tpu.vector_load_idx %arg10[%get3A_296] : memref<64xf32, #tpu.memory_space<vmem>>[vector<16xi32>], vector<16xf32>,
      %mul3A_298 = arith.mulf %gather3A_297, %div3A_112 : vector<16xf32>
      %mul3A_299 = arith.constant 16 : i32
      %mul3A_300 = arith.muli %scan3A_292, %mul3A_299 : i32
      %swap3A_301 = arith.index_cast %mul3A_300 : i32 to index
      %swap3A_302 = tpu.vector_load %arg13[%swap3A_301] {strides = array<i32>} : memref<2560xf32, #tpu.memory_space<vmem>>, vector<16xf32>,
      tpu.vector_store %arg13[%swap3A_301], %mul3A_298 {strides = array<i32>} : memref<2560xf32, #tpu.memory_space<vmem>>, vector<16xf32>,
      %scan3A_303 = arith.constant 4 : i32
      %scan3A_304 = arith.addi %scan3A_257, %scan3A_303 : i32
      %mul3A_305 = arith.constant 16 : i32
      %mul3A_306 = arith.muli %scan3A_304, %mul3A_305 : i32
      %get3A_307 = arith.index_cast %mul3A_306 : i32 to index
      %get3A_308 = tpu.vector_load %arg12[%get3A_307] {strides = array<i32>} : memref<2560xi32, #tpu.memory_space<vmem>>, vector<16xi32>,
      %gather3A_309 = tpu.vector_load_idx %arg10[%get3A_308] : memref<64xf32, #tpu.memory_space<vmem>>[vector<16xi32>], vector<16xf32>,
      %mul3A_310 = arith.mulf %gather3A_309, %div3A_112 : vector<16xf32>
      %mul3A_311 = arith.constant 16 : i32
      %mul3A_312 = arith.muli %scan3A_304, %mul3A_311 : i32
      %swap3A_313 = arith.index_cast %mul3A_312 : i32 to index
      %swap3A_314 = tpu.vector_load %arg13[%swap3A_313] {strides = array<i32>} : memref<2560xf32, #tpu.memory_space<vmem>>, vector<16xf32>,
      tpu.vector_store %arg13[%swap3A_313], %mul3A_310 {strides = array<i32>} : memref<2560xf32, #tpu.memory_space<vmem>>, vector<16xf32>,
      %scan3A_315 = arith.constant 5 : i32
      %scan3A_316 = arith.addi %scan3A_257, %scan3A_315 : i32
      %mul3A_317 = arith.constant 16 : i32
      %mul3A_318 = arith.muli %scan3A_316, %mul3A_317 : i32
      %get3A_319 = arith.index_cast %mul3A_318 : i32 to index
      %get3A_320 = tpu.vector_load %arg12[%get3A_319] {strides = array<i32>} : memref<2560xi32, #tpu.memory_space<vmem>>, vector<16xi32>,
      %gather3A_321 = tpu.vector_load_idx %arg10[%get3A_320] : memref<64xf32, #tpu.memory_space<vmem>>[vector<16xi32>], vector<16xf32>,
      %mul3A_322 = arith.mulf %gather3A_321, %div3A_112 : vector<16xf32>
      %mul3A_323 = arith.constant 16 : i32
      %mul3A_324 = arith.muli %scan3A_316, %mul3A_323 : i32
      %swap3A_325 = arith.index_cast %mul3A_324 : i32 to index
      %swap3A_326 = tpu.vector_load %arg13[%swap3A_325] {strides = array<i32>} : memref<2560xf32, #tpu.memory_space<vmem>>, vector<16xf32>,
      tpu.vector_store %arg13[%swap3A_325], %mul3A_322 {strides = array<i32>} : memref<2560xf32, #tpu.memory_space<vmem>>, vector<16xf32>,
      %scan3A_327 = arith.constant 6 : i32
      %scan3A_328 = arith.addi %scan3A_257, %scan3A_327 : i32
      %mul3A_329 = arith.constant 16 : i32
      %mul3A_330 = arith.muli %scan3A_328, %mul3A_329 : i32
      %get3A_331 = arith.index_cast %mul3A_330 : i32 to index
      %get3A_332 = tpu.vector_load %arg12[%get3A_331] {strides = array<i32>} : memref<2560xi32, #tpu.memory_space<vmem>>, vector<16xi32>,
      %gather3A_333 = tpu.vector_load_idx %arg10[%get3A_332] : memref<64xf32, #tpu.memory_space<vmem>>[vector<16xi32>], vector<16xf32>,
      %mul3A_334 = arith.mulf %gather3A_333, %div3A_112 : vector<16xf32>
      %mul3A_335 = arith.constant 16 : i32
      %mul3A_336 = arith.muli %scan3A_328, %mul3A_335 : i32
      %swap3A_337 = arith.index_cast %mul3A_336 : i32 to index
      %swap3A_338 = tpu.vector_load %arg13[%swap3A_337] {strides = array<i32>} : memref<2560xf32, #tpu.memory_space<vmem>>, vector<16xf32>,
      tpu.vector_store %arg13[%swap3A_337], %mul3A_334 {strides = array<i32>} : memref<2560xf32, #tpu.memory_space<vmem>>, vector<16xf32>,
      %scan3A_339 = arith.constant 7 : i32
      %scan3A_340 = arith.addi %scan3A_257, %scan3A_339 : i32
      %mul3A_341 = arith.constant 16 : i32
      %mul3A_342 = arith.muli %scan3A_340, %mul3A_341 : i32
      %get3A_343 = arith.index_cast %mul3A_342 : i32 to index
      %get3A_344 = tpu.vector_load %arg12[%get3A_343] {strides = array<i32>} : memref<2560xi32, #tpu.memory_space<vmem>>, vector<16xi32>,
      %gather3A_345 = tpu.vector_load_idx %arg10[%get3A_344] : memref<64xf32, #tpu.memory_space<vmem>>[vector<16xi32>], vector<16xf32>,
      %mul3A_346 = arith.mulf %gather3A_345, %div3A_112 : vector<16xf32>
      %mul3A_347 = arith.constant 16 : i32
      %mul3A_348 = arith.muli %scan3A_340, %mul3A_347 : i32
      %swap3A_349 = arith.index_cast %mul3A_348 : i32 to index
      %swap3A_350 = tpu.vector_load %arg13[%swap3A_349] {strides = array<i32>} : memref<2560xf32, #tpu.memory_space<vmem>>, vector<16xf32>,
      tpu.vector_store %arg13[%swap3A_349], %mul3A_346 {strides = array<i32>} : memref<2560xf32, #tpu.memory_space<vmem>>, vector<16xf32>,
    }
    %scan3A_212 = arith.constant 40 : i32
    %add3A_213 = arith.constant 1920 : i32
    %add3A_214 = arith.addi %mul3A_2, %add3A_213 : i32
    %dma_start3A_215 = arith.constant 1920 : i32
    %dma_start3A_216 = tpu.memref_slice %arg13[%dma_start3A_215] : memref<2560xf32, #tpu.memory_space<vmem>> -> memref<640xf32, #tpu.memory_space<vmem>>
    %dma_start3A_217 = tpu.memref_slice %arg6[%add3A_214] : memref<81920xf32, #tpu.memory_space<hbm>> -> memref<640xf32, #tpu.memory_space<hbm>>
    %dma_start3A_218 = tpu.memref_slice %arg6[%add3A_214] : memref<81920xf32, #tpu.memory_space<hbm>> -> memref<640xf32, #tpu.memory_space<hbm>>
    %dma_start3A_219 = arith.constant 1920 : i32
    %dma_start3A_220 = tpu.memref_slice %arg13[%dma_start3A_219] : memref<2560xf32, #tpu.memory_space<vmem>> -> memref<640xf32, #tpu.memory_space<vmem>>
    tpu.enqueue_dma source(%dma_start3A_220 : memref<640xf32, #tpu.memory_space<vmem>>) target(%dma_start3A_218 : memref<640xf32, #tpu.memory_space<hbm>>) target_semaphore(%arg19 : memref<!tpu.dma_semaphore, #tpu.memory_space<semaphore_mem>>)
    %dma_wait3A_221 = tpu.memref_slice %arg3[%mul3A_4] : memref<16384xi32, #tpu.memory_space<hbm>> -> memref<512xi32, #tpu.memory_space<hbm>>
    %dma_wait3A_222 = tpu.memref_slice %arg3[%mul3A_4] : memref<16384xi32, #tpu.memory_space<hbm>> -> memref<512xi32, #tpu.memory_space<hbm>>
    tpu.wait_dma2 semaphore(%arg18 : memref<!tpu.dma_semaphore, #tpu.memory_space<semaphore_mem>>) src(%dma_wait3A_222 : memref<512xi32, #tpu.memory_space<hbm>>) dst(%arg14 : memref<512xi32, #tpu.memory_space<vmem>>)
    %scan3A_223 = arith.constant 0 : i32
    %scan3A_224 = arith.constant 0 : i32
    %scan3A_225 = arith.constant 32 : i32
    %scan3A_226 = arith.addi %scan3A_224, %scan3A_225 : i32
    %scan3A_227 = arith.constant 8 : i32
    scf.for %scan3A_257 = %scan3A_224 to %scan3A_226 step %scan3A_227  : i32 {
      %mul3A_258 = arith.constant 16 : i32
      %mul3A_259 = arith.muli %scan3A_257, %mul3A_258 : i32
      %get3A_260 = arith.index_cast %mul3A_259 : i32 to index
      %get3A_261 = tpu.vector_load %arg14[%get3A_260] {strides = array<i32>} : memref<512xi32, #tpu.memory_space<vmem>>, vector<16xi32>,
      %gather3A_262 = tpu.vector_load_idx %arg11[%get3A_261] : memref<16xf32, #tpu.memory_space<vmem>>[vector<16xi32>], vector<16xf32>,
      %mul3A_263 = arith.mulf %gather3A_262, %div3A_163 : vector<16xf32>
      %mul3A_264 = arith.constant 16 : i32
      %mul3A_265 = arith.muli %scan3A_257, %mul3A_264 : i32
      %swap3A = arith.index_cast %mul3A_265 : i32 to index
      %swap3A_266 = tpu.vector_load %arg15[%swap3A] {strides = array<i32>} : memref<512xf32, #tpu.memory_space<vmem>>, vector<16xf32>,
      tpu.vector_store %arg15[%swap3A], %mul3A_263 {strides = array<i32>} : memref<512xf32, #tpu.memory_space<vmem>>, vector<16xf32>,
      %scan3A_267 = arith.constant 1 : i32
      %scan3A_268 = arith.addi %scan3A_257, %scan3A_267 : i32
      %mul3A_269 = arith.constant 16 : i32
      %mul3A_270 = arith.muli %scan3A_268, %mul3A_269 : i32
      %get3A_271 = arith.index_cast %mul3A_270 : i32 to index
      %get3A_272 = tpu.vector_load %arg14[%get3A_271] {strides = array<i32>} : memref<512xi32, #tpu.memory_space<vmem>>, vector<16xi32>,
      %gather3A_273 = tpu.vector_load_idx %arg11[%get3A_272] : memref<16xf32, #tpu.memory_space<vmem>>[vector<16xi32>], vector<16xf32>,
      %mul3A_274 = arith.mulf %gather3A_273, %div3A_163 : vector<16xf32>
      %mul3A_275 = arith.constant 16 : i32
      %mul3A_276 = arith.muli %scan3A_268, %mul3A_275 : i32
      %swap3A_277 = arith.index_cast %mul3A_276 : i32 to index
      %swap3A_278 = tpu.vector_load %arg15[%swap3A_277] {strides = array<i32>} : memref<512xf32, #tpu.memory_space<vmem>>, vector<16xf32>,
      tpu.vector_store %arg15[%swap3A_277], %mul3A_274 {strides = array<i32>} : memref<512xf32, #tpu.memory_space<vmem>>, vector<16xf32>,
      %scan3A_279 = arith.constant 2 : i32
      %scan3A_280 = arith.addi %scan3A_257, %scan3A_279 : i32
      %mul3A_281 = arith.constant 16 : i32
      %mul3A_282 = arith.muli %scan3A_280, %mul3A_281 : i32
      %get3A_283 = arith.index_cast %mul3A_282 : i32 to index
      %get3A_284 = tpu.vector_load %arg14[%get3A_283] {strides = array<i32>} : memref<512xi32, #tpu.memory_space<vmem>>, vector<16xi32>,
      %gather3A_285 = tpu.vector_load_idx %arg11[%get3A_284] : memref<16xf32, #tpu.memory_space<vmem>>[vector<16xi32>], vector<16xf32>,
      %mul3A_286 = arith.mulf %gather3A_285, %div3A_163 : vector<16xf32>
      %mul3A_287 = arith.constant 16 : i32
      %mul3A_288 = arith.muli %scan3A_280, %mul3A_287 : i32
      %swap3A_289 = arith.index_cast %mul3A_288 : i32 to index
      %swap3A_290 = tpu.vector_load %arg15[%swap3A_289] {strides = array<i32>} : memref<512xf32, #tpu.memory_space<vmem>>, vector<16xf32>,
      tpu.vector_store %arg15[%swap3A_289], %mul3A_286 {strides = array<i32>} : memref<512xf32, #tpu.memory_space<vmem>>, vector<16xf32>,
      %scan3A_291 = arith.constant 3 : i32
      %scan3A_292 = arith.addi %scan3A_257, %scan3A_291 : i32
      %mul3A_293 = arith.constant 16 : i32
      %mul3A_294 = arith.muli %scan3A_292, %mul3A_293 : i32
      %get3A_295 = arith.index_cast %mul3A_294 : i32 to index
      %get3A_296 = tpu.vector_load %arg14[%get3A_295] {strides = array<i32>} : memref<512xi32, #tpu.memory_space<vmem>>, vector<16xi32>,
      %gather3A_297 = tpu.vector_load_idx %arg11[%get3A_296] : memref<16xf32, #tpu.memory_space<vmem>>[vector<16xi32>], vector<16xf32>,
      %mul3A_298 = arith.mulf %gather3A_297, %div3A_163 : vector<16xf32>
      %mul3A_299 = arith.constant 16 : i32
      %mul3A_300 = arith.muli %scan3A_292, %mul3A_299 : i32
      %swap3A_301 = arith.index_cast %mul3A_300 : i32 to index
      %swap3A_302 = tpu.vector_load %arg15[%swap3A_301] {strides = array<i32>} : memref<512xf32, #tpu.memory_space<vmem>>, vector<16xf32>,
      tpu.vector_store %arg15[%swap3A_301], %mul3A_298 {strides = array<i32>} : memref<512xf32, #tpu.memory_space<vmem>>, vector<16xf32>,
      %scan3A_303 = arith.constant 4 : i32
      %scan3A_304 = arith.addi %scan3A_257, %scan3A_303 : i32
      %mul3A_305 = arith.constant 16 : i32
      %mul3A_306 = arith.muli %scan3A_304, %mul3A_305 : i32
      %get3A_307 = arith.index_cast %mul3A_306 : i32 to index
      %get3A_308 = tpu.vector_load %arg14[%get3A_307] {strides = array<i32>} : memref<512xi32, #tpu.memory_space<vmem>>, vector<16xi32>,
      %gather3A_309 = tpu.vector_load_idx %arg11[%get3A_308] : memref<16xf32, #tpu.memory_space<vmem>>[vector<16xi32>], vector<16xf32>,
      %mul3A_310 = arith.mulf %gather3A_309, %div3A_163 : vector<16xf32>
      %mul3A_311 = arith.constant 16 : i32
      %mul3A_312 = arith.muli %scan3A_304, %mul3A_311 : i32
      %swap3A_313 = arith.index_cast %mul3A_312 : i32 to index
      %swap3A_314 = tpu.vector_load %arg15[%swap3A_313] {strides = array<i32>} : memref<512xf32, #tpu.memory_space<vmem>>, vector<16xf32>,
      tpu.vector_store %arg15[%swap3A_313], %mul3A_310 {strides = array<i32>} : memref<512xf32, #tpu.memory_space<vmem>>, vector<16xf32>,
      %scan3A_315 = arith.constant 5 : i32
      %scan3A_316 = arith.addi %scan3A_257, %scan3A_315 : i32
      %mul3A_317 = arith.constant 16 : i32
      %mul3A_318 = arith.muli %scan3A_316, %mul3A_317 : i32
      %get3A_319 = arith.index_cast %mul3A_318 : i32 to index
      %get3A_320 = tpu.vector_load %arg14[%get3A_319] {strides = array<i32>} : memref<512xi32, #tpu.memory_space<vmem>>, vector<16xi32>,
      %gather3A_321 = tpu.vector_load_idx %arg11[%get3A_320] : memref<16xf32, #tpu.memory_space<vmem>>[vector<16xi32>], vector<16xf32>,
      %mul3A_322 = arith.mulf %gather3A_321, %div3A_163 : vector<16xf32>
      %mul3A_323 = arith.constant 16 : i32
      %mul3A_324 = arith.muli %scan3A_316, %mul3A_323 : i32
      %swap3A_325 = arith.index_cast %mul3A_324 : i32 to index
      %swap3A_326 = tpu.vector_load %arg15[%swap3A_325] {strides = array<i32>} : memref<512xf32, #tpu.memory_space<vmem>>, vector<16xf32>,
      tpu.vector_store %arg15[%swap3A_325], %mul3A_322 {strides = array<i32>} : memref<512xf32, #tpu.memory_space<vmem>>, vector<16xf32>,
      %scan3A_327 = arith.constant 6 : i32
      %scan3A_328 = arith.addi %scan3A_257, %scan3A_327 : i32
      %mul3A_329 = arith.constant 16 : i32
      %mul3A_330 = arith.muli %scan3A_328, %mul3A_329 : i32
      %get3A_331 = arith.index_cast %mul3A_330 : i32 to index
      %get3A_332 = tpu.vector_load %arg14[%get3A_331] {strides = array<i32>} : memref<512xi32, #tpu.memory_space<vmem>>, vector<16xi32>,
      %gather3A_333 = tpu.vector_load_idx %arg11[%get3A_332] : memref<16xf32, #tpu.memory_space<vmem>>[vector<16xi32>], vector<16xf32>,
      %mul3A_334 = arith.mulf %gather3A_333, %div3A_163 : vector<16xf32>
      %mul3A_335 = arith.constant 16 : i32
      %mul3A_336 = arith.muli %scan3A_328, %mul3A_335 : i32
      %swap3A_337 = arith.index_cast %mul3A_336 : i32 to index
      %swap3A_338 = tpu.vector_load %arg15[%swap3A_337] {strides = array<i32>} : memref<512xf32, #tpu.memory_space<vmem>>, vector<16xf32>,
      tpu.vector_store %arg15[%swap3A_337], %mul3A_334 {strides = array<i32>} : memref<512xf32, #tpu.memory_space<vmem>>, vector<16xf32>,
      %scan3A_339 = arith.constant 7 : i32
      %scan3A_340 = arith.addi %scan3A_257, %scan3A_339 : i32
      %mul3A_341 = arith.constant 16 : i32
      %mul3A_342 = arith.muli %scan3A_340, %mul3A_341 : i32
      %get3A_343 = arith.index_cast %mul3A_342 : i32 to index
      %get3A_344 = tpu.vector_load %arg14[%get3A_343] {strides = array<i32>} : memref<512xi32, #tpu.memory_space<vmem>>, vector<16xi32>,
      %gather3A_345 = tpu.vector_load_idx %arg11[%get3A_344] : memref<16xf32, #tpu.memory_space<vmem>>[vector<16xi32>], vector<16xf32>,
      %mul3A_346 = arith.mulf %gather3A_345, %div3A_163 : vector<16xf32>
      %mul3A_347 = arith.constant 16 : i32
      %mul3A_348 = arith.muli %scan3A_340, %mul3A_347 : i32
      %swap3A_349 = arith.index_cast %mul3A_348 : i32 to index
      %swap3A_350 = tpu.vector_load %arg15[%swap3A_349] {strides = array<i32>} : memref<512xf32, #tpu.memory_space<vmem>>, vector<16xf32>,
      tpu.vector_store %arg15[%swap3A_349], %mul3A_346 {strides = array<i32>} : memref<512xf32, #tpu.memory_space<vmem>>, vector<16xf32>,
    }
    %scan3A_228 = arith.constant 32 : i32
    %dma_start3A_229 = tpu.memref_slice %arg7[%mul3A_4] : memref<16384xf32, #tpu.memory_space<hbm>> -> memref<512xf32, #tpu.memory_space<hbm>>
    %dma_start3A_230 = tpu.memref_slice %arg7[%mul3A_4] : memref<16384xf32, #tpu.memory_space<hbm>> -> memref<512xf32, #tpu.memory_space<hbm>>
    tpu.enqueue_dma source(%arg15 : memref<512xf32, #tpu.memory_space<vmem>>) target(%dma_start3A_230 : memref<512xf32, #tpu.memory_space<hbm>>) target_semaphore(%arg19 : memref<!tpu.dma_semaphore, #tpu.memory_space<semaphore_mem>>)
    %dma_wait3A_231 = arith.constant 0 : i32
    %dma_wait3A_232 = tpu.memref_slice %arg13[%dma_wait3A_231] : memref<2560xf32, #tpu.memory_space<vmem>> -> memref<640xf32, #tpu.memory_space<vmem>>
    %dma_wait3A_233 = tpu.memref_slice %arg6[%add3A_172] : memref<81920xf32, #tpu.memory_space<hbm>> -> memref<640xf32, #tpu.memory_space<hbm>>
    %dma_wait3A_234 = tpu.memref_slice %arg6[%add3A_172] : memref<81920xf32, #tpu.memory_space<hbm>> -> memref<640xf32, #tpu.memory_space<hbm>>
    %dma_wait3A_235 = arith.constant 0 : i32
    %dma_wait3A_236 = tpu.memref_slice %arg13[%dma_wait3A_235] : memref<2560xf32, #tpu.memory_space<vmem>> -> memref<640xf32, #tpu.memory_space<vmem>>
    tpu.wait_dma2 semaphore(%arg19 : memref<!tpu.dma_semaphore, #tpu.memory_space<semaphore_mem>>) src(%dma_wait3A_236 : memref<640xf32, #tpu.memory_space<vmem>>) dst(%dma_wait3A_234 : memref<640xf32, #tpu.memory_space<hbm>>)
    %dma_wait3A_237 = arith.constant 640 : i32
    %dma_wait3A_238 = tpu.memref_slice %arg13[%dma_wait3A_237] : memref<2560xf32, #tpu.memory_space<vmem>> -> memref<640xf32, #tpu.memory_space<vmem>>
    %dma_wait3A_239 = tpu.memref_slice %arg6[%add3A_186] : memref<81920xf32, #tpu.memory_space<hbm>> -> memref<640xf32, #tpu.memory_space<hbm>>
    %dma_wait3A_240 = tpu.memref_slice %arg6[%add3A_186] : memref<81920xf32, #tpu.memory_space<hbm>> -> memref<640xf32, #tpu.memory_space<hbm>>
    %dma_wait3A_241 = arith.constant 640 : i32
    %dma_wait3A_242 = tpu.memref_slice %arg13[%dma_wait3A_241] : memref<2560xf32, #tpu.memory_space<vmem>> -> memref<640xf32, #tpu.memory_space<vmem>>
    tpu.wait_dma2 semaphore(%arg19 : memref<!tpu.dma_semaphore, #tpu.memory_space<semaphore_mem>>) src(%dma_wait3A_242 : memref<640xf32, #tpu.memory_space<vmem>>) dst(%dma_wait3A_240 : memref<640xf32, #tpu.memory_space<hbm>>)
    %dma_wait3A_243 = arith.constant 1280 : i32
    %dma_wait3A_244 = tpu.memref_slice %arg13[%dma_wait3A_243] : memref<2560xf32, #tpu.memory_space<vmem>> -> memref<640xf32, #tpu.memory_space<vmem>>
    %dma_wait3A_245 = tpu.memref_slice %arg6[%add3A_200] : memref<81920xf32, #tpu.memory_space<hbm>> -> memref<640xf32, #tpu.memory_space<hbm>>
    %dma_wait3A_246 = tpu.memref_slice %arg6[%add3A_200] : memref<81920xf32, #tpu.memory_space<hbm>> -> memref<640xf32, #tpu.memory_space<hbm>>
    %dma_wait3A_247 = arith.constant 1280 : i32
    %dma_wait3A_248 = tpu.memref_slice %arg13[%dma_wait3A_247] : memref<2560xf32, #tpu.memory_space<vmem>> -> memref<640xf32, #tpu.memory_space<vmem>>
    tpu.wait_dma2 semaphore(%arg19 : memref<!tpu.dma_semaphore, #tpu.memory_space<semaphore_mem>>) src(%dma_wait3A_248 : memref<640xf32, #tpu.memory_space<vmem>>) dst(%dma_wait3A_246 : memref<640xf32, #tpu.memory_space<hbm>>)
    %dma_wait3A_249 = arith.constant 1920 : i32
    %dma_wait3A_250 = tpu.memref_slice %arg13[%dma_wait3A_249] : memref<2560xf32, #tpu.memory_space<vmem>> -> memref<640xf32, #tpu.memory_space<vmem>>
    %dma_wait3A_251 = tpu.memref_slice %arg6[%add3A_214] : memref<81920xf32, #tpu.memory_space<hbm>> -> memref<640xf32, #tpu.memory_space<hbm>>
    %dma_wait3A_252 = tpu.memref_slice %arg6[%add3A_214] : memref<81920xf32, #tpu.memory_space<hbm>> -> memref<640xf32, #tpu.memory_space<hbm>>
    %dma_wait3A_253 = arith.constant 1920 : i32
    %dma_wait3A_254 = tpu.memref_slice %arg13[%dma_wait3A_253] : memref<2560xf32, #tpu.memory_space<vmem>> -> memref<640xf32, #tpu.memory_space<vmem>>
    tpu.wait_dma2 semaphore(%arg19 : memref<!tpu.dma_semaphore, #tpu.memory_space<semaphore_mem>>) src(%dma_wait3A_254 : memref<640xf32, #tpu.memory_space<vmem>>) dst(%dma_wait3A_252 : memref<640xf32, #tpu.memory_space<hbm>>)
    %dma_wait3A_255 = tpu.memref_slice %arg7[%mul3A_4] : memref<16384xf32, #tpu.memory_space<hbm>> -> memref<512xf32, #tpu.memory_space<hbm>>
    %dma_wait3A_256 = tpu.memref_slice %arg7[%mul3A_4] : memref<16384xf32, #tpu.memory_space<hbm>> -> memref<512xf32, #tpu.memory_space<hbm>>
    tpu.wait_dma2 semaphore(%arg19 : memref<!tpu.dma_semaphore, #tpu.memory_space<semaphore_mem>>) src(%arg15 : memref<512xf32, #tpu.memory_space<vmem>>) dst(%dma_wait3A_256 : memref<512xf32, #tpu.memory_space<hbm>>)
    return
  }
}

</mosaic_0001>

<sc_bundles>
// kernel: kernel.3.cloned.1.call-start
scs
__scs_entry_jumppad:
0x0: {  	(pc) =	sbr.rel $0x88, $3  }
0x1: {  	(tag) =	ssettag $0x0;
	lr =	simm.s32 $0x1  }
0x2: {  	[smem:$0x3F9D] =	sst lr;
	_ =	strace $0xD0000000  }
0x3: {  	_ = 	snop  }
0x4: {  	_ = 	snop  }
0x5: {  	_ = 	snop  }
0x6: {  	_ = 	snop  }
0x7: {  	_ = 	snop  }
__scs_overlays_trampoline_lowered:
0x8: {  	[smem:$0x3FAC] =	sst s0  }
0x9: {  	[smem:$0x3FAD] =	sst s1  }
0xa: {  	[smem:$0x3FAE] =	sst s2  }
0xb: {  	[smem:$0x3FAF] =	sst s3  }
0xc: {  	[smem:$0x3FB0] =	sst s4  }
0xd: {  	[smem:$0x3FB1] =	sst s5  }
0xe: {  	[smem:$0x3FB2] =	sst s6  }
0xf: {  	[smem:$0x3FB3] =	sst s7  }
0x10: {  	[smem:$0x3FB4] =	sst s8  }
0x11: {  	[smem:$0x3FB5] =	sst s9;
	s0 =	simm.s32 @!p0 $0x0  }
0x12: {  	s1 =	sld [smem:$0x3F9B];
	s0 =	simm.s32 @p0 $0x1  }
0x13: {  	[smem:$0x3FB6] =	sst s0;
	s0 =	simm.s32 @!p1 $0x0  }
0x14: {  	s2 =	sld [smem:$0x3F9A];
	s0 =	simm.s32 @p1 $0x1  }
0x15: {  	[smem:$0x3FB7] =	sst s0;
	s0 =	simm.s32 @!p2 $0x0  }
0x16: {  	s3 =	sld [smem:$0x3FDB];
	s0 =	simm.s32 @p2 $0x1  }
0x17: {  	s4 =	simm.s32 $0x1BF5;
	[smem:$0x3FB9] =	sst s0  }
0x18: {  	s0 =	sld [smem:$0x3F9C];
	_ =	swait.ge [sflag:s4], $0x0  }
0x19: {  	s7 =	sld [smem:$0x3F9D]  }
0x1a: {  	s8 =	sadd.s32 $0xFFFFE003, lr  }
0x1b: {  	s9 =	sadd.s32 $0xFFFFFEF7, lr;
	s5 =	simm.s32 $0xFFFFFFFF;
	p2 =	slt.u32 s8, $0xFFFFF086  }
0x1c: {  	p1 =	slt.u32 s9, $0xF7A;
	s5 =	simm.s32 @!p2 $0x0  }
0x1d: {  	s5 =	simm.s32 @p1 $0x1;
	p0 =	seq.s32 s7, s2  }
0x1e: {  	s7 =	smul.u32 @!p0 $0xF7A, s2;
	p2 =	seq.s32 @!p0 s5, $0x0  }
0x1f: {  	s9 =	smul.u32 $0xF7A, s1;
	s8 =	simm.s32 @!p0 $0x1BF5;
	p2 =	por !p2, p0  }
0x20: {  	[sflag:s8] =	ssyncset.s32 @!p0 $0xFFFFF086;
	s6 =	sadd.s32 @!p0 s3, s7;
	s7 =	simm.s32 @!p0 $0x108  }
0x21: {  	s3 =	sadd.s32 s3, s9;
	s6 =	sadd.s32 @!p0 $0x88, s6;
	s7 =	simm.s32 @p2 $0x1082  }
0x22: {  	[simem:s7], [sflag:s8] =	dma.local @!p0 [hbm:s6], $0xF7A  }
0x23: {  	s9 =	sor.u32 $0xD0000000, s2;
	s6 =	simm.s32 $0x108;
	_ =	swait.ge @!p0 [sflag:s8], $0x0  }
0x24: {  	s3 =	sadd.s32 $0x88, s3;
	s6 =	simm.s32 @!p1 $0x1082;
	[sflag:s4] =	ssyncset.s32 $0xFFFFF086  }
0x25: {  	[simem:s6], [sflag:s4] =	dma.local [hbm:s3], $0xF7A  }
0x26: {  	[smem:$0x3F9D] =	sst s1;
	(tag) =	ssettag s2;
	_ =	strace s9  }
0x27: {  	s1 =	sld [smem:$0x3FAD]  }
0x28: {  	s2 =	sld [smem:$0x3FAE]  }
0x29: {  	s4 =	sld [smem:$0x3FB0]  }
0x2a: {  	p0 =	seq.s32 s5, $0x0;
	s5 =	sld [smem:$0x3FB1]  }
0x2b: {  	s6 =	sld [smem:$0x3FB2]  }
0x2c: {  	s7 =	sld [smem:$0x3FB3]  }
0x2d: {  	s3 =	simm.s32 $0x108;
	s8 =	sld [smem:$0x3FB4]  }
0x2e: {  	s3 =	simm.s32 @!p0 $0x1082;
	s9 =	sld [smem:$0x3FB5]  }
0x2f: {  	lr =	sadd.s32 s0, s3;
	s0 =	sld [smem:$0x3FAC]  }
0x30: {  	s3 =	sld [smem:$0x3FAF]  }
0x31: {  	[smem:$0x3FB8] =	sst s10  }
0x32: {  	s10 =	sld [smem:$0x3FB6];
	_ =	sdelay $0x3  }
0x33: {  	p0 =	seq.s32 s10, $0x1;
	s10 =	sld [smem:$0x3FB8];
	_ =	sdelay $0x3  }
0x34: {  	[smem:$0x3FB8] =	sst s10  }
0x35: {  	s10 =	sld [smem:$0x3FB7];
	_ =	sdelay $0x3  }
0x36: {  	p1 =	seq.s32 s10, $0x1;
	s10 =	sld [smem:$0x3FB8];
	_ =	sdelay $0x3  }
0x37: {  	[smem:$0x3FB8] =	sst s10  }
0x38: {  	s10 =	sld [smem:$0x3FB9]  }
0x39: {  	_ = 	snop;
	(pc) =	sbr.ind lr, $3  }
0x3a: {  	_ = 	snop  }
0x3b: {  	_ = 	snop  }
0x3c: {  	p2 =	seq.s32 s10, $0x1;
	s10 =	sld [smem:$0x3FB8]  }
0x3d: {  	_ =	shalt  }
0x3e: {  	_ =	shalt  }
0x3f: {  	_ =	shalt  }
0x40: {  	_ =	shalt  }
0x41: {  	_ =	shalt  }
0x42: {  	_ =	shalt  }
0x43: {  	_ =	shalt  }
0x44: {  	_ =	shalt  }
0x45: {  	_ =	shalt  }
0x46: {  	_ =	shalt  }
0x47: {  	_ =	shalt  }
0x48: {  	_ =	shalt  }
0x49: {  	_ =	shalt  }
0x4a: {  	_ =	shalt  }
0x4b: {  	_ =	shalt  }
0x4c: {  	_ =	shalt  }
0x4d: {  	_ =	shalt  }
0x4e: {  	_ =	shalt  }
0x4f: {  	_ =	shalt  }
0x50: {  	_ =	shalt  }
0x51: {  	_ =	shalt  }
0x52: {  	_ =	shalt  }
0x53: {  	_ =	shalt  }
0x54: {  	_ =	shalt  }
0x55: {  	_ =	shalt  }
0x56: {  	_ =	shalt  }
0x57: {  	_ =	shalt  }
0x58: {  	_ =	shalt  }
0x59: {  	_ =	shalt  }
0x5a: {  	_ =	shalt  }
0x5b: {  	_ =	shalt  }
0x5c: {  	_ =	shalt  }
0x5d: {  	_ =	shalt  }
0x5e: {  	_ =	shalt  }
0x5f: {  	_ =	shalt  }
0x60: {  	_ =	shalt  }
0x61: {  	_ =	shalt  }
0x62: {  	_ =	shalt  }
0x63: {  	_ =	shalt  }
0x64: {  	_ =	shalt  }
0x65: {  	_ =	shalt  }
0x66: {  	_ =	shalt  }
0x67: {  	_ =	shalt  }
0x68: {  	_ =	shalt  }
0x69: {  	_ =	shalt  }
0x6a: {  	_ =	shalt  }
0x6b: {  	_ =	shalt  }
0x6c: {  	_ =	shalt  }
0x6d: {  	_ =	shalt  }
0x6e: {  	_ =	shalt  }
0x6f: {  	_ =	shalt  }
0x70: {  	_ =	shalt  }
0x71: {  	_ =	shalt  }
0x72: {  	_ =	shalt  }
0x73: {  	_ =	shalt  }
0x74: {  	_ =	shalt  }
0x75: {  	_ =	shalt  }
0x76: {  	_ =	shalt  }
0x77: {  	_ =	shalt  }
0x78: {  	_ =	shalt  }
0x79: {  	_ =	shalt  }
0x7a: {  	_ =	shalt  }
0x7b: {  	_ =	shalt  }
0x7c: {  	_ =	shalt  }
0x7d: {  	_ =	shalt  }
0x7e: {  	_ =	shalt  }
0x7f: {  	_ =	shalt  }
0x80: {  	_ =	shalt  }
0x81: {  	_ =	shalt  }
0x82: {  	_ =	shalt  }
0x83: {  	_ =	shalt  }
0x84: {  	_ =	shalt  }
0x85: {  	_ =	shalt  }
0x86: {  	_ =	shalt  }
0x87: {  	_ =	shalt  }
.Lfunc_end0:
.L_simem_size_0:
called_computation_lowered:
.L_overlay_start_0:
0x88: {  	s2 =	sld [smem:$0x3FD9]  }
0x89: {  	s3 =	sld [smem:$0x3FFE];
	_ =	sdelay $0x1  }
0x8a: {  	s1 =	srdreg.scid  }
0x8b: {  	s0 =	sand.u32 $0x1, s1  }
0x8c: {  	s14 =	sshll.u32 s0, $0xA;
	s2 =	sadd.s32 s3, s2  }
0x8d: {  	s2 =	sadd.s32 s2, s14  }
0x8e: {  	[smem:$0x3FC4] =	sst s2  }
0x8f: {  	_ = 	snop  }
0x90: {  	s2 =	sld [smem:$0x3FD0]  }
0x91: {  	s15 =	sld [smem:$0x3FC8]  }
0x92: {  	s4 =	sld [smem:$0x3FC7]  }
0x93: {  	s6 =	simm.s32 $0xA;
	s7 =	simm.s32 $0x10;
	s5 =	sld [smem:$0x3FC6]  }
0x94: {  	[smem:s7], [sflag:s6] =	dma.local [hbm:s2], $0x1  }
0x95: {  	_ =	swait.eq [sflag:s6], $0x1  }
0x96: {  	[sflag:s6] =	ssyncset.done $0x0  }
0x97: {  	s16 =	sld [smem:$0x10];
	[sflag:s6] =	ssyncadd.s32 $0xFFFFFFFF  }
0x98: {  	s17 =	sld [smem:$0x11];
	(tm) =	ssettm $0x1  }
0x99: {  	s18 =	sld [smem:$0x3FFB];
	_ =	sdelay $0x3  }
0x9a: {  	_ =	strace s18  }
0x9b: {  	s7 =	sld [smem:$0x3FFC];
	_ =	sdelay $0x3  }
0x9c: {  	_ =	strace s7  }
0x9d: {  	s7 =	sld [smem:$0x3FFD];
	_ =	sdelay $0x3  }
0x9e: {  	_ =	strace s7  }
0x9f: {  	_ =	strace $0x8FFFFFFF  }
0xa0: {  	s19 =	sld [smem:$0x3FDB];
	_ =	sdelay $0x1  }
0xa1: {  	s8 =	simm.s32 $_scs_section_size  }
0xa2: {  	s9 =	simm.s32 $_size__tile_overlayer_lowered;
	s10 =	simm.s32 $_tile_overlayer_lowered  }
0xa3: {  	s22 =	simm.s32 $0x1BFF;
	s21 =	sshll.u32 s10, $0x1;
	s7 =	sadd.s32 s8, s19  }
0xa4: {  	s11 =	simm.s32 $0x0;
	s20 =	sshll.u32 s9, $0x1;
	s9 =	sadd.s32 s21, s7  }
0xa5: {  	[timem:s11], [sflag:s22] =	dma.local [hbm:s9], s20  }
0xa6: {  	_ =	swait.ge [sflag:s22], s20  }
0xa7: {  	s8 =	ssub.s32 $0x0, s20;
	[sflag:s22] =	ssyncset.done $0x0  }
0xa8: {  	[sflag:s22] =	ssyncadd.s32 s8;
	_ =	sdelay $0x1  }
0xa9: {  	s23 =	simm.s32 $0x1B8B  }
0xaa: {  	_ =	swait.ge [sflag:s23], $0x1  }
0xab: {  	[sflag:s23] =	ssyncset.done $0x0  }
0xac: {  	s25 =	simm.s32 $0x1B8E;
	s24 =	sld [smem:$0x3FFE];
	[sflag:s23] =	ssyncadd.s32 $0xFFFFFFFF  }
0xad: {  	s26 =	simm.s32 $execute0_lowered;
	[smem:$0x3FD2] =	sst s25  }
0xae: {  	s9 =	sshll.u32 s26, $0x1;
	_ =	strace $0x80000046;
	[dreg:$0x1] =	wrdreg $0xFFFFFFFF  }
0xaf: {  	s28 =	simm.s32 $_size_execute0_lowered;
	s7 =	sadd.s32 s7, s9;
	[dreg:$0x0] =	wrdreg $0x0  }
0xb0: {  	s9 =	sshll.u32 s28, $0x1;
	[dreg:$0x2] =	wrdreg s7  }
0xb1: {  	[dreg:$0x3] =	wrdreg s9  }
0xb2: {  	[dreg:$0x4] =	wrdreg $0xC0  }
0xb3: {  	_ =	task [dreg:s11], $0x5FFFF  }
0xb4: {  	[dreg:$0x1] =	wrdreg $0xFFFFFFFF  }
0xb5: {  	[dreg:$0x0] =	wrdreg $0x60  }
0xb6: {  	[dreg:$0x2] =	wrdreg s16  }
0xb7: {  	[dreg:$0x3] =	wrdreg s15  }
0xb8: {  	[dreg:$0x4] =	wrdreg s4  }
0xb9: {  	[dreg:$0x5] =	wrdreg s5  }
0xba: {  	[dreg:$0x6] =	wrdreg s24  }
0xbb: {  	[dreg:$0x7] =	wrdreg s17  }
0xbc: {  	[dreg:$0x8] =	wrdreg $0x9  }
0xbd: {  	_ =	task.clear_ibuf [dreg:s11], $0x9FFFF;
	_ =	strace $0x90000046  }
0xbe: {  	s29 =	simm.s32 $0x9;
	_ =	strace $0x80000048  }
0xbf: {  	_ =	swait.ge [sflag:s29], $0x1  }
0xc0: {  	[sflag:s29] =	ssyncadd.s32 $0xFFFFFFFF  }
0xc1: {  	_ =	strace $0x90000048  }
0xc2: {  	_ =	sfence  }
0xc3: {  	s30 =	sld [smem:$0x0];
	_ =	sdelay $0x2  }
0xc4: {  	s31 =	sshll.u32 s1, $0xD;
	s1 =	sshrl.u32 s1, $0x2  }
0xc5: {  	s3 =	sand.u32 $0x4000, s31;
	s1 =	sadd.s32 s1, s30  }
0xc6: {  	s0 =	sor.u32 s3, s0;
	s1 =	sshll.u32 s1, $0x11  }
0xc7: {  	s0 =	sor.u32 s1, s0  }
0xc8: {  	s0 =	sadd.s32 $0x8F2B, s0  }
0xc9: {  	[sflag:s0] =	ssyncadd.remote.s32 $0x1  }
0xca: {  	_ =	sfence.sel $0xFFFF  }
0xcb: {  	[dreg:$0x0] =	wrdreg $0xFFFFFFFF;
	(pc) =	sbr.abs _section_cstart, $3  }
0xcc: {  	[dreg:$0x1] =	wrdreg $0xFFFFFFFF  }
0xcd: {  	_ =	task.clear_ibuf [dreg:s11], $0x2FFFF;
	_ =	strace $0x9FFFFFFF  }
0xce: {  	(tm) =	ssettm $0x7FFFFFFF  }
0xcf: {  	_ =	shalt  }
tec
execute0_lowered:
.L_overlay_start_1:
0x0: {  	(tag) =	ssettag $0x1  }
0x1: {  	s5 =	rddreg [dreg:$0x0]  }
0x2: {  	s6 =	rddreg [dreg:$0x1]  }
0x3: {  	s1 =	rddreg [dreg:$0x2]  }
0x4: {  	s2 =	rddreg [dreg:$0x3]  }
0x5: {  	s3 =	srdreg.scid;
	s8 =	rddreg [dreg:$0x4]  }
0x6: {  	s0 =	stileid.u32;
	v0 =	vimm.s32 $0xBA98FEDC;
	v1 =	vimm.s32 $0x76543210;
	s11 =	rddreg [dreg:$0x5];
	v4 =	vimm.s32 $0x32107654  }
0x7: {  	v3 =	vlaneseq.u32;
	s4 =	simm.s32 $0x0;
	v5 =	vimm.s32 $0xDCFE98BA;
	v6 =	vimm.s32 $0x54761032;
	s15 =	simm.s32 $0x1600;
	s16 =	simm.s32 $0x1  }
0x8: {  	v7 =	vimm.s32 $0xEFCDAB89;
	v8 =	vimm.s32 $0x67452301;
	s17 =	simm.s32 $0x100;
	vm0 =	vmmov $0x1;
	s18 =	simm.s32 $0x180;
	s19 =	simm.s32 $0x2  }
0x9: {  	s20 =	simm.s32 $0xC00;
	s21 =	simm.s32 $0xE80;
	s22 =	simm.s32 $0x1100;
	vm1 =	vmmov $0x3ff;
	v0 =	vunpack.c.l.s4.s8 v0;
	v4 =	vunpack.c.l.s4.s8 v4  }
0xa: {  	s23 =	simm.s32 $0x1380;
	s24 =	simm.s32 $0x3;
	s25 =	simm.s32 $0x1800;
	v2 =	vunpack.c.l.s4.s8 v1;
	v1 =	vimm.s32 $0xFEDCBA98;
	v5 =	vunpack.c.l.s4.s8 v5  }
0xb: {  	s26 =	simm.s32 $0x4;
	s7 =	sand.u32 $0x1, s3;
	s30 =	sshll.u32 s0, $0x1;
	v6 =	vunpack.c.l.s4.s8 v6;
	v0 =	vunpack.c.0.s8.s32 v0;
	v4 =	vunpack.c.0.s8.s32 v4  }
0xc: {  	s3 =	rddreg [dreg:$0x6];
	v7 =	vunpack.c.l.s4.s8 v7;
	v8 =	vunpack.c.l.s4.s8 v8;
	s9 =	sor.u32 s7, s30;
	s7 =	ssub.s32 $0x2, s7;
	v1 =	vunpack.c.l.s4.s8 v1  }
0xd: {  	[smem:$0x7FF] =	sst s4;
	s10 =	smul.u32 $0xA00, s9;
	s31 =	sshrl.u32 s7, $0x1;
	v5 =	vunpack.c.0.s8.s32 v5;
	v6 =	vunpack.c.0.s8.s32 v6;
	v9 =	vcombine.low v4, v0  }
0xe: {  	_ =	strace $0x80000047;
	s14 =	sshll.u32 s9, $0x6;
	s13 =	ssub.s32 s7, s31;
	v4 =	vunpack.c.0.s8.s32 v7;
	v7 =	vunpack.c.0.s8.s32 v8;
	v0 =	vadd.s32 $0x1, v3  }
0xf: {  	s6 =	sadd.s32 s6, s14;
	s11 =	sadd.s32 s11, s14;
	s10 =	sshrl.u32 s10, $0x3;
	v8 =	vunpack.c.0.s8.s32 v1;
	v6 =	vcombine.low v6, v5;
	v1 =	vadd.s32 $0x11, v3  }
0x10: {  	s14 =	simm.s32 $0x200;
	v5 =	vunpack.c.0.s8.s32 v2;
	v2 =	vadd.s32 $0x21, v3;
	s12 =	sadd.s32 s10, s8;
	s5 =	sadd.s32 s5, s10;
	v7 =	vcombine.low v7, v4  }
0x11: {  	v3 =	vadd.s32 $0x31, v3;
	s7 =	sadd.s32 $0x800, s12;
	s8 =	sadd.s32 $0x850, s12;
	s9 =	sadd.s32 $0x8A0, s12;
	v4 =	vand.u32 $0xF, v8;
	v6 =	vand.u32 $0xF, v6  }
0x12: {  	s10 =	sadd.s32 $0x8F0, s12;
	s12 =	smax.u32 s13, $0x1;
	s13 =	simm.s32 $0x80;
	v4 =	vcombine.low v4, v5;
	v5 =	vand.u32 $0xF, v9;
	v7 =	vand.u32 $0xF, v7  }
.LBB2_1:
0x13: {  	[tilespmem:s4], [sflag:$0x1] =	stream.linear.gather [hbm4b:s1+s4], $0x31, $0x38;
	[tilespmem:$0x1A00] =	vst v63  }
0x14: {  	_ = 	snop  }
0x15: {  	[tilespmem:s13], [sflag:$0x1] =	stream.linear.gather [hbm4b:s2+s4], $0xA, $0x38;
	[tilespmem:$0x1A00] =	vst v63  }
0x16: {  	_ = 	snop  }
0x17: {  	[tilespmem:s14], [sflag:$0x2] =	stream.linear.gather [hbm4b:s5+s4], $0xA00, $0x38;
	[tilespmem:$0x1A00] =	vst v63  }
0x18: {  	_ = 	snop  }
0x19: {  	[tilespmem:s15], [sflag:$0x3] =	stream.linear.gather [hbm4b:s6+s4], $0x200, $0x38;
	[tilespmem:$0x1A00] =	vst v63  }
0x1a: {  	_ =	swait.ge [sflag:s16], $0x31  }
0x1b: {  	[sflag:s16] =	ssyncset.done $0x0  }
0x1c: {  	[sflag:s16] =	ssyncadd.s32 $0xFFFFFFCF  }
0x1d: {  	_ =	swait.ge [sflag:s16], $0xA  }
0x1e: {  	[sflag:s16] =	ssyncset.done $0x0  }
0x1f: {  	[sflag:s16] =	ssyncadd.s32 $0xFFFFFFF6  }
0x20: {  	v8 =	vld [tilespmem:$0x0];
	_ =	sdelay $0x4  }
0x21: {  	v8 =	vmul.f32 $1.442695020e+00, v8;
	_ =	sdelay $0x1  }
0x22: {  	(erf) = vpow2.f32 v8;
	_ =	sdelay $0x8  }
0x23: {  	v8 =	vpop (erf)  }
0x24: {  	[tilespmem:v0+s17+$0x0] =	vst.idx.msk $0xffff, v8  }
0x25: {  	v9 =	vld [tilespmem:$0x10];
	_ =	sdelay $0x4  }
0x26: {  	v9 =	vmul.f32 $1.442695020e+00, v9;
	_ =	sdelay $0x1  }
0x27: {  	(erf) = vpow2.f32 v9;
	_ =	sdelay $0x8  }
0x28: {  	v9 =	vpop (erf)  }
0x29: {  	[tilespmem:v1+s17+$0x0] =	vst.idx.msk $0xffff, v9  }
0x2a: {  	v10 =	vld [tilespmem:$0x20];
	_ =	sdelay $0x4  }
0x2b: {  	v10 =	vmul.f32 $1.442695020e+00, v10;
	_ =	sdelay $0x1  }
0x2c: {  	(erf) = vpow2.f32 v10;
	_ =	sdelay $0x8  }
0x2d: {  	v10 =	vpop (erf)  }
0x2e: {  	[tilespmem:v2+s17+$0x0] =	vst.idx.msk $0xffff, v10  }
0x2f: {  	v11 =	vld [tilespmem:$0x30];
	_ =	sdelay $0x4  }
0x30: {  	v11 =	vmul.f32 $1.442695020e+00, v11;
	_ =	sdelay $0x1  }
0x31: {  	(erf) = vpow2.f32 v11;
	_ =	sdelay $0x4  }
0x32: {  	v8 =	vadd.f32 $0.0e+00, v8;
	_ =	sdelay $0x1  }
0x33: {  	v8 =	vadd.f32 v9, v8;
	_ =	sdelay $0x1  }
0x34: {  	v8 =	vadd.f32 v10, v8;
	v23 =	vpop (erf)  }
0x35: {  	v9 =	vnsel vm0, $0x0, v23  }
0x36: {  	v8 =	vadd.f32 v9, v8;
	_ =	sdelay $0x1  }
0x37: {  	v24 =	vperm.xlane v8, v4;
	_ =	sdelay $0x1  }
0x38: {  	v8 =	vadd.f32 v8, v24;
	_ =	sdelay $0x1  }
0x39: {  	v10 =	vperm.xlane v8, v5;
	_ =	sdelay $0x1  }
0x3a: {  	v8 =	vadd.f32 v8, v10;
	_ =	sdelay $0x1  }
0x3b: {  	v10 =	vperm.xlane v8, v6  }
0x3c: {  	[tilespmem:v3+s17+$0x0] =	vst.idx.msk $0x1, v9  }
0x3d: {  	v9 =	vld [tilespmem:$0x80];
	v8 =	vadd.f32 v8, v10;
	_ =	sdelay $0x1  }
0x3e: {  	v10 =	vperm.xlane v8, v7;
	_ =	sdelay $0x1  }
0x3f: {  	v8 =	vadd.f32 v8, v10  }
0x40: {  	v9 =	vmul.f32 $1.442695020e+00, v9  }
0x41: {  	(erf) = vrcp.f32 v8  }
0x42: {  	(erf) = vpow2.f32 v9;
	_ =	sdelay $0x7  }
0x43: {  	v8 =	vpop (erf)  }
0x44: {  	v9 =	vpop (erf)  }
0x45: {  	v9 =	vnsel vm1, $0x0, v9  }
0x46: {  	[tilespmem:v0+s18+$0x0] =	vst.idx.msk $0x3ff, v9  }
0x47: {  	_ =	swait.ge [sflag:s19], $0xA00  }
0x48: {  	[sflag:s19] =	ssyncset.done $0x0  }
0x49: {  	[sflag:s19] =	ssyncadd.s32 $0xFFFFF600  }
0x4a: {  	v25 =	vld [tilespmem:$0x200];
	_ =	sdelay $0x6  }
0x4b: {  	v26 =	vld [tilespmem:$0x210]  }
0x4c: {  	v10 =	vld.idx.msk [tilespmem:v25+s17+$0x0], $0xffff;
	_ =	sdelay $0x4  }
0x4d: {  	v10 =	vmul.f32 v10, v8;
	_ =	sdelay $0x1  }
0x4e: {  	v27 =	vld [tilespmem:$0x220];
	[tilespmem:$0xC00] =	vst v10  }
0x4f: {  	v10 =	vld.idx.msk [tilespmem:v26+s17+$0x0], $0xffff;
	_ =	sdelay $0x4  }
0x50: {  	v10 =	vmul.f32 v10, v8;
	_ =	sdelay $0x1  }
0x51: {  	v28 =	vld [tilespmem:$0x230];
	[tilespmem:$0xC10] =	vst v10  }
0x52: {  	v10 =	vld.idx.msk [tilespmem:v27+s17+$0x0], $0xffff;
	_ =	sdelay $0x4  }
0x53: {  	v10 =	vmul.f32 v10, v8;
	_ =	sdelay $0x1  }
0x54: {  	v29 =	vld [tilespmem:$0x240];
	[tilespmem:$0xC20] =	vst v10  }
0x55: {  	v10 =	vld.idx.msk [tilespmem:v28+s17+$0x0], $0xffff;
	_ =	sdelay $0x4  }
0x56: {  	v10 =	vmul.f32 v10, v8;
	_ =	sdelay $0x1  }
0x57: {  	v30 =	vld [tilespmem:$0x250];
	[tilespmem:$0xC30] =	vst v10  }
0x58: {  	v10 =	vld.idx.msk [tilespmem:v29+s17+$0x0], $0xffff;
	_ =	sdelay $0x4  }
0x59: {  	v10 =	vmul.f32 v10, v8;
	_ =	sdelay $0x1  }
0x5a: {  	v31 =	vld [tilespmem:$0x260];
	[tilespmem:$0xC40] =	vst v10  }
0x5b: {  	v10 =	vld.idx.msk [tilespmem:v30+s17+$0x0], $0xffff;
	_ =	sdelay $0x4  }
0x5c: {  	v10 =	vmul.f32 v10, v8;
	_ =	sdelay $0x1  }
0x5d: {  	v32 =	vld [tilespmem:$0x270];
	[tilespmem:$0xC50] =	vst v10  }
0x5e: {  	v10 =	vld.idx.msk [tilespmem:v31+s17+$0x0], $0xffff;
	_ =	sdelay $0x4  }
0x5f: {  	v10 =	vmul.f32 v10, v8;
	_ =	sdelay $0x1  }
0x60: {  	v33 =	vld [tilespmem:$0x280];
	[tilespmem:$0xC60] =	vst v10  }
0x61: {  	v10 =	vld.idx.msk [tilespmem:v32+s17+$0x0], $0xffff;
	_ =	sdelay $0x4  }
0x62: {  	v10 =	vmul.f32 v10, v8;
	_ =	sdelay $0x1  }
0x63: {  	v34 =	vld [tilespmem:$0x290];
	[tilespmem:$0xC70] =	vst v10  }
0x64: {  	v10 =	vld.idx.msk [tilespmem:v33+s17+$0x0], $0xffff;
	_ =	sdelay $0x4  }
0x65: {  	v10 =	vmul.f32 v10, v8;
	_ =	sdelay $0x1  }
0x66: {  	v35 =	vld [tilespmem:$0x2A0];
	[tilespmem:$0xC80] =	vst v10  }
0x67: {  	v10 =	vld.idx.msk [tilespmem:v34+s17+$0x0], $0xffff;
	_ =	sdelay $0x4  }
0x68: {  	v10 =	vmul.f32 v10, v8;
	_ =	sdelay $0x1  }
0x69: {  	v36 =	vld [tilespmem:$0x2B0];
	[tilespmem:$0xC90] =	vst v10  }
0x6a: {  	v10 =	vld.idx.msk [tilespmem:v35+s17+$0x0], $0xffff;
	_ =	sdelay $0x4  }
0x6b: {  	v10 =	vmul.f32 v10, v8;
	_ =	sdelay $0x1  }
0x6c: {  	v37 =	vld [tilespmem:$0x2C0];
	[tilespmem:$0xCA0] =	vst v10  }
0x6d: {  	v10 =	vld.idx.msk [tilespmem:v36+s17+$0x0], $0xffff;
	_ =	sdelay $0x4  }
0x6e: {  	v10 =	vmul.f32 v10, v8;
	_ =	sdelay $0x1  }
0x6f: {  	v38 =	vld [tilespmem:$0x2D0];
	[tilespmem:$0xCB0] =	vst v10  }
0x70: {  	v10 =	vld.idx.msk [tilespmem:v37+s17+$0x0], $0xffff;
	_ =	sdelay $0x4  }
0x71: {  	v10 =	vmul.f32 v10, v8;
	_ =	sdelay $0x1  }
0x72: {  	v39 =	vld [tilespmem:$0x2E0];
	[tilespmem:$0xCC0] =	vst v10  }
0x73: {  	v10 =	vld.idx.msk [tilespmem:v38+s17+$0x0], $0xffff;
	_ =	sdelay $0x4  }
0x74: {  	v10 =	vmul.f32 v10, v8;
	_ =	sdelay $0x1  }
0x75: {  	v40 =	vld [tilespmem:$0x2F0];
	[tilespmem:$0xCD0] =	vst v10  }
0x76: {  	v10 =	vld.idx.msk [tilespmem:v39+s17+$0x0], $0xffff;
	_ =	sdelay $0x4  }
0x77: {  	v10 =	vmul.f32 v10, v8;
	_ =	sdelay $0x1  }
0x78: {  	v41 =	vld [tilespmem:$0x300];
	[tilespmem:$0xCE0] =	vst v10  }
0x79: {  	v10 =	vld.idx.msk [tilespmem:v40+s17+$0x0], $0xffff;
	_ =	sdelay $0x4  }
0x7a: {  	v10 =	vmul.f32 v10, v8;
	_ =	sdelay $0x1  }
0x7b: {  	v42 =	vld [tilespmem:$0x310];
	[tilespmem:$0xCF0] =	vst v10  }
0x7c: {  	v10 =	vld.idx.msk [tilespmem:v41+s17+$0x0], $0xffff;
	_ =	sdelay $0x4  }
0x7d: {  	v10 =	vmul.f32 v10, v8;
	_ =	sdelay $0x1  }
0x7e: {  	v43 =	vld [tilespmem:$0x320];
	[tilespmem:$0xD00] =	vst v10  }
0x7f: {  	v10 =	vld.idx.msk [tilespmem:v42+s17+$0x0], $0xffff;
	_ =	sdelay $0x4  }
0x80: {  	v10 =	vmul.f32 v10, v8;
	_ =	sdelay $0x1  }
0x81: {  	v44 =	vld [tilespmem:$0x330];
	[tilespmem:$0xD10] =	vst v10  }
0x82: {  	v10 =	vld.idx.msk [tilespmem:v43+s17+$0x0], $0xffff;
	_ =	sdelay $0x4  }
0x83: {  	v10 =	vmul.f32 v10, v8;
	_ =	sdelay $0x1  }
0x84: {  	v45 =	vld [tilespmem:$0x340];
	[tilespmem:$0xD20] =	vst v10  }
0x85: {  	v10 =	vld.idx.msk [tilespmem:v44+s17+$0x0], $0xffff;
	_ =	sdelay $0x4  }
0x86: {  	v10 =	vmul.f32 v10, v8;
	_ =	sdelay $0x1  }
0x87: {  	v46 =	vld [tilespmem:$0x350];
	[tilespmem:$0xD30] =	vst v10  }
0x88: {  	v10 =	vld.idx.msk [tilespmem:v45+s17+$0x0], $0xffff;
	_ =	sdelay $0x4  }
0x89: {  	v10 =	vmul.f32 v10, v8;
	_ =	sdelay $0x1  }
0x8a: {  	v47 =	vld [tilespmem:$0x360];
	[tilespmem:$0xD40] =	vst v10  }
0x8b: {  	v10 =	vld.idx.msk [tilespmem:v46+s17+$0x0], $0xffff;
	_ =	sdelay $0x4  }
0x8c: {  	v10 =	vmul.f32 v10, v8;
	_ =	sdelay $0x1  }
0x8d: {  	v48 =	vld [tilespmem:$0x370];
	[tilespmem:$0xD50] =	vst v10  }
0x8e: {  	v10 =	vld.idx.msk [tilespmem:v47+s17+$0x0], $0xffff;
	_ =	sdelay $0x4  }
0x8f: {  	v10 =	vmul.f32 v10, v8;
	_ =	sdelay $0x1  }
0x90: {  	v49 =	vld [tilespmem:$0x380];
	[tilespmem:$0xD60] =	vst v10  }
0x91: {  	v10 =	vld.idx.msk [tilespmem:v48+s17+$0x0], $0xffff;
	_ =	sdelay $0x4  }
0x92: {  	v10 =	vmul.f32 v10, v8;
	_ =	sdelay $0x1  }
0x93: {  	v50 =	vld [tilespmem:$0x390];
	[tilespmem:$0xD70] =	vst v10  }
0x94: {  	v10 =	vld.idx.msk [tilespmem:v49+s17+$0x0], $0xffff;
	_ =	sdelay $0x4  }
0x95: {  	v10 =	vmul.f32 v10, v8;
	_ =	sdelay $0x1  }
0x96: {  	v51 =	vld [tilespmem:$0x3A0];
	[tilespmem:$0xD80] =	vst v10  }
0x97: {  	v10 =	vld.idx.msk [tilespmem:v50+s17+$0x0], $0xffff;
	_ =	sdelay $0x4  }
0x98: {  	v10 =	vmul.f32 v10, v8;
	_ =	sdelay $0x1  }
0x99: {  	v52 =	vld [tilespmem:$0x3B0];
	[tilespmem:$0xD90] =	vst v10  }
0x9a: {  	v10 =	vld.idx.msk [tilespmem:v51+s17+$0x0], $0xffff;
	_ =	sdelay $0x4  }
0x9b: {  	v10 =	vmul.f32 v10, v8;
	_ =	sdelay $0x1  }
0x9c: {  	v53 =	vld [tilespmem:$0x3C0];
	[tilespmem:$0xDA0] =	vst v10  }
0x9d: {  	v10 =	vld.idx.msk [tilespmem:v52+s17+$0x0], $0xffff;
	_ =	sdelay $0x4  }
0x9e: {  	v10 =	vmul.f32 v10, v8;
	_ =	sdelay $0x1  }
0x9f: {  	v54 =	vld [tilespmem:$0x3D0];
	[tilespmem:$0xDB0] =	vst v10  }
0xa0: {  	v10 =	vld.idx.msk [tilespmem:v53+s17+$0x0], $0xffff;
	_ =	sdelay $0x4  }
0xa1: {  	v10 =	vmul.f32 v10, v8;
	_ =	sdelay $0x1  }
0xa2: {  	v55 =	vld [tilespmem:$0x3E0];
	[tilespmem:$0xDC0] =	vst v10  }
0xa3: {  	v10 =	vld.idx.msk [tilespmem:v54+s17+$0x0], $0xffff;
	_ =	sdelay $0x4  }
0xa4: {  	v10 =	vmul.f32 v10, v8;
	_ =	sdelay $0x1  }
0xa5: {  	v56 =	vld [tilespmem:$0x3F0];
	[tilespmem:$0xDD0] =	vst v10  }
0xa6: {  	v10 =	vld.idx.msk [tilespmem:v55+s17+$0x0], $0xffff;
	_ =	sdelay $0x4  }
0xa7: {  	v10 =	vmul.f32 v10, v8;
	_ =	sdelay $0x1  }
0xa8: {  	[tilespmem:$0xDE0] =	vst v10  }
0xa9: {  	v10 =	vld.idx.msk [tilespmem:v56+s17+$0x0], $0xffff;
	_ =	sdelay $0x4  }
0xaa: {  	v10 =	vmul.f32 v10, v8;
	_ =	sdelay $0x1  }
0xab: {  	[tilespmem:$0xDF0] =	vst v10  }
0xac: {  	v10 =	vld [tilespmem:$0x400];
	_ =	sdelay $0x6  }
0xad: {  	v57 =	vld [tilespmem:$0x410]  }
0xae: {  	v10 =	vld.idx.msk [tilespmem:v10+s17+$0x0], $0xffff;
	_ =	sdelay $0x4  }
0xaf: {  	v10 =	vmul.f32 v10, v8;
	_ =	sdelay $0x1  }
0xb0: {  	v58 =	vld [tilespmem:$0x420];
	[tilespmem:$0xE00] =	vst v10  }
0xb1: {  	v10 =	vld.idx.msk [tilespmem:v57+s17+$0x0], $0xffff;
	_ =	sdelay $0x4  }
0xb2: {  	v10 =	vmul.f32 v10, v8;
	_ =	sdelay $0x1  }
0xb3: {  	v59 =	vld [tilespmem:$0x430];
	[tilespmem:$0xE10] =	vst v10  }
0xb4: {  	v10 =	vld.idx.msk [tilespmem:v58+s17+$0x0], $0xffff;
	_ =	sdelay $0x4  }
0xb5: {  	v10 =	vmul.f32 v10, v8;
	_ =	sdelay $0x1  }
0xb6: {  	v60 =	vld [tilespmem:$0x440];
	[tilespmem:$0xE20] =	vst v10  }
0xb7: {  	v10 =	vld.idx.msk [tilespmem:v59+s17+$0x0], $0xffff;
	_ =	sdelay $0x4  }
0xb8: {  	v10 =	vmul.f32 v10, v8;
	_ =	sdelay $0x1  }
0xb9: {  	v61 =	vld [tilespmem:$0x450];
	[tilespmem:$0xE30] =	vst v10  }
0xba: {  	v10 =	vld.idx.msk [tilespmem:v60+s17+$0x0], $0xffff;
	_ =	sdelay $0x4  }
0xbb: {  	v10 =	vmul.f32 v10, v8;
	_ =	sdelay $0x1  }
0xbc: {  	v62 =	vld [tilespmem:$0x460];
	[tilespmem:$0xE40] =	vst v10  }
0xbd: {  	v10 =	vld.idx.msk [tilespmem:v61+s17+$0x0], $0xffff;
	_ =	sdelay $0x4  }
0xbe: {  	v10 =	vmul.f32 v10, v8;
	_ =	sdelay $0x1  }
0xbf: {  	v63 =	vld [tilespmem:$0x470];
	[tilespmem:$0xE50] =	vst v10  }
0xc0: {  	v10 =	vld.idx.msk [tilespmem:v62+s17+$0x0], $0xffff;
	_ =	sdelay $0x4  }
0xc1: {  	v10 =	vmul.f32 v10, v8;
	_ =	sdelay $0x1  }
0xc2: {  	[tilespmem:$0xE60] =	vst v10  }
0xc3: {  	v10 =	vld.idx.msk [tilespmem:v63+s17+$0x0], $0xffff;
	_ =	sdelay $0x4  }
0xc4: {  	v10 =	vmul.f32 v10, v8;
	_ =	sdelay $0x1  }
0xc5: {  	[tilespmem:$0xE70] =	vst v10  }
0xc6: {  	[hbm4b:s7+s4] =	stream.linear.scatter [tilespmem:s20], [sflag:$0x4], $0x280, $0x38;
	[tilespmem:$0x1A00] =	vst v63  }
0xc7: {  	v12 =	vld [tilespmem:$0x480];
	_ =	sdelay $0x6  }
0xc8: {  	v13 =	vld [tilespmem:$0x490]  }
0xc9: {  	v10 =	vld.idx.msk [tilespmem:v12+s17+$0x0], $0xffff;
	_ =	sdelay $0x4  }
0xca: {  	v10 =	vmul.f32 v10, v8;
	_ =	sdelay $0x1  }
0xcb: {  	v14 =	vld [tilespmem:$0x4A0];
	[tilespmem:$0xE80] =	vst v10  }
0xcc: {  	v10 =	vld.idx.msk [tilespmem:v13+s17+$0x0], $0xffff;
	_ =	sdelay $0x4  }
0xcd: {  	v10 =	vmul.f32 v10, v8;
	_ =	sdelay $0x1  }
0xce: {  	v15 =	vld [tilespmem:$0x4B0];
	[tilespmem:$0xE90] =	vst v10  }
0xcf: {  	v10 =	vld.idx.msk [tilespmem:v14+s17+$0x0], $0xffff;
	_ =	sdelay $0x4  }
0xd0: {  	v10 =	vmul.f32 v10, v8;
	_ =	sdelay $0x1  }
0xd1: {  	v16 =	vld [tilespmem:$0x4C0];
	[tilespmem:$0xEA0] =	vst v10  }
0xd2: {  	v10 =	vld.idx.msk [tilespmem:v15+s17+$0x0], $0xffff;
	_ =	sdelay $0x4  }
0xd3: {  	v10 =	vmul.f32 v10, v8;
	_ =	sdelay $0x1  }
0xd4: {  	v17 =	vld [tilespmem:$0x4D0];
	[tilespmem:$0xEB0] =	vst v10  }
0xd5: {  	v10 =	vld.idx.msk [tilespmem:v16+s17+$0x0], $0xffff;
	_ =	sdelay $0x4  }
0xd6: {  	v10 =	vmul.f32 v10, v8;
	_ =	sdelay $0x1  }
0xd7: {  	v18 =	vld [tilespmem:$0x4E0];
	[tilespmem:$0xEC0] =	vst v10  }
0xd8: {  	v10 =	vld.idx.msk [tilespmem:v17+s17+$0x0], $0xffff;
	_ =	sdelay $0x4  }
0xd9: {  	v10 =	vmul.f32 v10, v8;
	_ =	sdelay $0x1  }
0xda: {  	v19 =	vld [tilespmem:$0x4F0];
	[tilespmem:$0xED0] =	vst v10  }
0xdb: {  	v10 =	vld.idx.msk [tilespmem:v18+s17+$0x0], $0xffff;
	_ =	sdelay $0x4  }
0xdc: {  	v10 =	vmul.f32 v10, v8;
	_ =	sdelay $0x1  }
0xdd: {  	v20 =	vld [tilespmem:$0x500];
	[tilespmem:$0xEE0] =	vst v10  }
0xde: {  	v10 =	vld.idx.msk [tilespmem:v19+s17+$0x0], $0xffff;
	_ =	sdelay $0x4  }
0xdf: {  	v10 =	vmul.f32 v10, v8;
	_ =	sdelay $0x1  }
0xe0: {  	v21 =	vld [tilespmem:$0x510];
	[tilespmem:$0xEF0] =	vst v10  }
0xe1: {  	v10 =	vld.idx.msk [tilespmem:v20+s17+$0x0], $0xffff;
	_ =	sdelay $0x4  }
0xe2: {  	v10 =	vmul.f32 v10, v8;
	_ =	sdelay $0x1  }
0xe3: {  	v22 =	vld [tilespmem:$0x520];
	[tilespmem:$0xF00] =	vst v10  }
0xe4: {  	v10 =	vld.idx.msk [tilespmem:v21+s17+$0x0], $0xffff;
	_ =	sdelay $0x4  }
0xe5: {  	v10 =	vmul.f32 v10, v8;
	_ =	sdelay $0x1  }
0xe6: {  	v23 =	vld [tilespmem:$0x530];
	[tilespmem:$0xF10] =	vst v10  }
0xe7: {  	v10 =	vld.idx.msk [tilespmem:v22+s17+$0x0], $0xffff;
	_ =	sdelay $0x4  }
0xe8: {  	v10 =	vmul.f32 v10, v8;
	_ =	sdelay $0x1  }
0xe9: {  	v24 =	vld [tilespmem:$0x540];
	[tilespmem:$0xF20] =	vst v10  }
0xea: {  	v10 =	vld.idx.msk [tilespmem:v23+s17+$0x0], $0xffff;
	_ =	sdelay $0x4  }
0xeb: {  	v10 =	vmul.f32 v10, v8;
	_ =	sdelay $0x1  }
0xec: {  	v25 =	vld [tilespmem:$0x550];
	[tilespmem:$0xF30] =	vst v10  }
0xed: {  	v10 =	vld.idx.msk [tilespmem:v24+s17+$0x0], $0xffff;
	_ =	sdelay $0x4  }
0xee: {  	v10 =	vmul.f32 v10, v8;
	_ =	sdelay $0x1  }
0xef: {  	v26 =	vld [tilespmem:$0x560];
	[tilespmem:$0xF40] =	vst v10  }
0xf0: {  	v10 =	vld.idx.msk [tilespmem:v25+s17+$0x0], $0xffff;
	_ =	sdelay $0x4  }
0xf1: {  	v10 =	vmul.f32 v10, v8;
	_ =	sdelay $0x1  }
0xf2: {  	v27 =	vld [tilespmem:$0x570];
	[tilespmem:$0xF50] =	vst v10  }
0xf3: {  	v10 =	vld.idx.msk [tilespmem:v26+s17+$0x0], $0xffff;
	_ =	sdelay $0x4  }
0xf4: {  	v10 =	vmul.f32 v10, v8;
	_ =	sdelay $0x1  }
0xf5: {  	v28 =	vld [tilespmem:$0x580];
	[tilespmem:$0xF60] =	vst v10  }
0xf6: {  	v10 =	vld.idx.msk [tilespmem:v27+s17+$0x0], $0xffff;
	_ =	sdelay $0x4  }
0xf7: {  	v10 =	vmul.f32 v10, v8;
	_ =	sdelay $0x1  }
0xf8: {  	v29 =	vld [tilespmem:$0x590];
	[tilespmem:$0xF70] =	vst v10  }
0xf9: {  	v10 =	vld.idx.msk [tilespmem:v28+s17+$0x0], $0xffff;
	_ =	sdelay $0x4  }
0xfa: {  	v10 =	vmul.f32 v10, v8;
	_ =	sdelay $0x1  }
0xfb: {  	v30 =	vld [tilespmem:$0x5A0];
	[tilespmem:$0xF80] =	vst v10  }
0xfc: {  	v10 =	vld.idx.msk [tilespmem:v29+s17+$0x0], $0xffff;
	_ =	sdelay $0x4  }
0xfd: {  	v10 =	vmul.f32 v10, v8;
	_ =	sdelay $0x1  }
0xfe: {  	v31 =	vld [tilespmem:$0x5B0];
	[tilespmem:$0xF90] =	vst v10  }
0xff: {  	v10 =	vld.idx.msk [tilespmem:v30+s17+$0x0], $0xffff;
	_ =	sdelay $0x4  }
0x100: {  	v10 =	vmul.f32 v10, v8;
	_ =	sdelay $0x1  }
0x101: {  	v32 =	vld [tilespmem:$0x5C0];
	[tilespmem:$0xFA0] =	vst v10  }
0x102: {  	v10 =	vld.idx.msk [tilespmem:v31+s17+$0x0], $0xffff;
	_ =	sdelay $0x4  }
0x103: {  	v10 =	vmul.f32 v10, v8;
	_ =	sdelay $0x1  }
0x104: {  	v33 =	vld [tilespmem:$0x5D0];
	[tilespmem:$0xFB0] =	vst v10  }
0x105: {  	v10 =	vld.idx.msk [tilespmem:v32+s17+$0x0], $0xffff;
	_ =	sdelay $0x4  }
0x106: {  	v10 =	vmul.f32 v10, v8;
	_ =	sdelay $0x1  }
0x107: {  	v34 =	vld [tilespmem:$0x5E0];
	[tilespmem:$0xFC0] =	vst v10  }
0x108: {  	v10 =	vld.idx.msk [tilespmem:v33+s17+$0x0], $0xffff;
	_ =	sdelay $0x4  }
0x109: {  	v10 =	vmul.f32 v10, v8;
	_ =	sdelay $0x1  }
0x10a: {  	v35 =	vld [tilespmem:$0x5F0];
	[tilespmem:$0xFD0] =	vst v10  }
0x10b: {  	v10 =	vld.idx.msk [tilespmem:v34+s17+$0x0], $0xffff;
	_ =	sdelay $0x4  }
0x10c: {  	v10 =	vmul.f32 v10, v8;
	_ =	sdelay $0x1  }
0x10d: {  	v36 =	vld [tilespmem:$0x600];
	[tilespmem:$0xFE0] =	vst v10  }
0x10e: {  	v10 =	vld.idx.msk [tilespmem:v35+s17+$0x0], $0xffff;
	_ =	sdelay $0x4  }
0x10f: {  	v10 =	vmul.f32 v10, v8;
	_ =	sdelay $0x1  }
0x110: {  	v37 =	vld [tilespmem:$0x610];
	[tilespmem:$0xFF0] =	vst v10  }
0x111: {  	v10 =	vld.idx.msk [tilespmem:v36+s17+$0x0], $0xffff;
	_ =	sdelay $0x4  }
0x112: {  	v10 =	vmul.f32 v10, v8;
	_ =	sdelay $0x1  }
0x113: {  	v38 =	vld [tilespmem:$0x620];
	[tilespmem:$0x1000] =	vst v10  }
0x114: {  	v10 =	vld.idx.msk [tilespmem:v37+s17+$0x0], $0xffff;
	_ =	sdelay $0x4  }
0x115: {  	v10 =	vmul.f32 v10, v8;
	_ =	sdelay $0x1  }
0x116: {  	v39 =	vld [tilespmem:$0x630];
	[tilespmem:$0x1010] =	vst v10  }
0x117: {  	v10 =	vld.idx.msk [tilespmem:v38+s17+$0x0], $0xffff;
	_ =	sdelay $0x4  }
0x118: {  	v10 =	vmul.f32 v10, v8;
	_ =	sdelay $0x1  }
0x119: {  	v40 =	vld [tilespmem:$0x640];
	[tilespmem:$0x1020] =	vst v10  }
0x11a: {  	v10 =	vld.idx.msk [tilespmem:v39+s17+$0x0], $0xffff;
	_ =	sdelay $0x4  }
0x11b: {  	v10 =	vmul.f32 v10, v8;
	_ =	sdelay $0x1  }
0x11c: {  	v41 =	vld [tilespmem:$0x650];
	[tilespmem:$0x1030] =	vst v10  }
0x11d: {  	v10 =	vld.idx.msk [tilespmem:v40+s17+$0x0], $0xffff;
	_ =	sdelay $0x4  }
0x11e: {  	v10 =	vmul.f32 v10, v8;
	_ =	sdelay $0x1  }
0x11f: {  	v42 =	vld [tilespmem:$0x660];
	[tilespmem:$0x1040] =	vst v10  }
0x120: {  	v10 =	vld.idx.msk [tilespmem:v41+s17+$0x0], $0xffff;
	_ =	sdelay $0x4  }
0x121: {  	v10 =	vmul.f32 v10, v8;
	_ =	sdelay $0x1  }
0x122: {  	v43 =	vld [tilespmem:$0x670];
	[tilespmem:$0x1050] =	vst v10  }
0x123: {  	v10 =	vld.idx.msk [tilespmem:v42+s17+$0x0], $0xffff;
	_ =	sdelay $0x4  }
0x124: {  	v10 =	vmul.f32 v10, v8;
	_ =	sdelay $0x1  }
0x125: {  	v44 =	vld [tilespmem:$0x680];
	[tilespmem:$0x1060] =	vst v10  }
0x126: {  	v10 =	vld.idx.msk [tilespmem:v43+s17+$0x0], $0xffff;
	_ =	sdelay $0x4  }
0x127: {  	v10 =	vmul.f32 v10, v8;
	_ =	sdelay $0x1  }
0x128: {  	v45 =	vld [tilespmem:$0x690];
	[tilespmem:$0x1070] =	vst v10  }
0x129: {  	v10 =	vld.idx.msk [tilespmem:v44+s17+$0x0], $0xffff;
	_ =	sdelay $0x4  }
0x12a: {  	v10 =	vmul.f32 v10, v8;
	_ =	sdelay $0x1  }
0x12b: {  	v46 =	vld [tilespmem:$0x6A0];
	[tilespmem:$0x1080] =	vst v10  }
0x12c: {  	v10 =	vld.idx.msk [tilespmem:v45+s17+$0x0], $0xffff;
	_ =	sdelay $0x4  }
0x12d: {  	v10 =	vmul.f32 v10, v8;
	_ =	sdelay $0x1  }
0x12e: {  	v47 =	vld [tilespmem:$0x6B0];
	[tilespmem:$0x1090] =	vst v10  }
0x12f: {  	v10 =	vld.idx.msk [tilespmem:v46+s17+$0x0], $0xffff;
	_ =	sdelay $0x4  }
0x130: {  	v10 =	vmul.f32 v10, v8;
	_ =	sdelay $0x1  }
0x131: {  	v48 =	vld [tilespmem:$0x6C0];
	[tilespmem:$0x10A0] =	vst v10  }
0x132: {  	v10 =	vld.idx.msk [tilespmem:v47+s17+$0x0], $0xffff;
	_ =	sdelay $0x4  }
0x133: {  	v10 =	vmul.f32 v10, v8;
	_ =	sdelay $0x1  }
0x134: {  	v49 =	vld [tilespmem:$0x6D0];
	[tilespmem:$0x10B0] =	vst v10  }
0x135: {  	v10 =	vld.idx.msk [tilespmem:v48+s17+$0x0], $0xffff;
	_ =	sdelay $0x4  }
0x136: {  	v10 =	vmul.f32 v10, v8;
	_ =	sdelay $0x1  }
0x137: {  	v50 =	vld [tilespmem:$0x6E0];
	[tilespmem:$0x10C0] =	vst v10  }
0x138: {  	v10 =	vld.idx.msk [tilespmem:v49+s17+$0x0], $0xffff;
	_ =	sdelay $0x4  }
0x139: {  	v10 =	vmul.f32 v10, v8;
	_ =	sdelay $0x1  }
0x13a: {  	v51 =	vld [tilespmem:$0x6F0];
	[tilespmem:$0x10D0] =	vst v10  }
0x13b: {  	v10 =	vld.idx.msk [tilespmem:v50+s17+$0x0], $0xffff;
	_ =	sdelay $0x4  }
0x13c: {  	v10 =	vmul.f32 v10, v8;
	_ =	sdelay $0x1  }
0x13d: {  	[tilespmem:$0x10E0] =	vst v10  }
0x13e: {  	v10 =	vld.idx.msk [tilespmem:v51+s17+$0x0], $0xffff;
	_ =	sdelay $0x4  }
0x13f: {  	v10 =	vmul.f32 v10, v8;
	_ =	sdelay $0x1  }
0x140: {  	[tilespmem:$0x10F0] =	vst v10  }
0x141: {  	[hbm4b:s8+s4] =	stream.linear.scatter [tilespmem:s21], [sflag:$0x4], $0x280, $0x38;
	[tilespmem:$0x1A00] =	vst v63  }
0x142: {  	v52 =	vld [tilespmem:$0x700];
	_ =	sdelay $0x6  }
0x143: {  	v53 =	vld [tilespmem:$0x710]  }
0x144: {  	v10 =	vld.idx.msk [tilespmem:v52+s17+$0x0], $0xffff;
	_ =	sdelay $0x4  }
0x145: {  	v10 =	vmul.f32 v10, v8;
	_ =	sdelay $0x1  }
0x146: {  	v54 =	vld [tilespmem:$0x720];
	[tilespmem:$0x1100] =	vst v10  }
0x147: {  	v10 =	vld.idx.msk [tilespmem:v53+s17+$0x0], $0xffff;
	_ =	sdelay $0x4  }
0x148: {  	v10 =	vmul.f32 v10, v8;
	_ =	sdelay $0x1  }
0x149: {  	v55 =	vld [tilespmem:$0x730];
	[tilespmem:$0x1110] =	vst v10  }
0x14a: {  	v10 =	vld.idx.msk [tilespmem:v54+s17+$0x0], $0xffff;
	_ =	sdelay $0x4  }
0x14b: {  	v10 =	vmul.f32 v10, v8;
	_ =	sdelay $0x1  }
0x14c: {  	v56 =	vld [tilespmem:$0x740];
	[tilespmem:$0x1120] =	vst v10  }
0x14d: {  	v10 =	vld.idx.msk [tilespmem:v55+s17+$0x0], $0xffff;
	_ =	sdelay $0x4  }
0x14e: {  	v10 =	vmul.f32 v10, v8;
	_ =	sdelay $0x1  }
0x14f: {  	v57 =	vld [tilespmem:$0x750];
	[tilespmem:$0x1130] =	vst v10  }
0x150: {  	v10 =	vld.idx.msk [tilespmem:v56+s17+$0x0], $0xffff;
	_ =	sdelay $0x4  }
0x151: {  	v10 =	vmul.f32 v10, v8;
	_ =	sdelay $0x1  }
0x152: {  	v58 =	vld [tilespmem:$0x760];
	[tilespmem:$0x1140] =	vst v10  }
0x153: {  	v10 =	vld.idx.msk [tilespmem:v57+s17+$0x0], $0xffff;
	_ =	sdelay $0x4  }
0x154: {  	v10 =	vmul.f32 v10, v8;
	_ =	sdelay $0x1  }
0x155: {  	v59 =	vld [tilespmem:$0x770];
	[tilespmem:$0x1150] =	vst v10  }
0x156: {  	v10 =	vld.idx.msk [tilespmem:v58+s17+$0x0], $0xffff;
	_ =	sdelay $0x4  }
0x157: {  	v10 =	vmul.f32 v10, v8;
	_ =	sdelay $0x1  }
0x158: {  	v60 =	vld [tilespmem:$0x780];
	[tilespmem:$0x1160] =	vst v10  }
0x159: {  	v10 =	vld.idx.msk [tilespmem:v59+s17+$0x0], $0xffff;
	_ =	sdelay $0x4  }
0x15a: {  	v10 =	vmul.f32 v10, v8;
	_ =	sdelay $0x1  }
0x15b: {  	v61 =	vld [tilespmem:$0x790];
	[tilespmem:$0x1170] =	vst v10  }
0x15c: {  	v10 =	vld.idx.msk [tilespmem:v60+s17+$0x0], $0xffff;
	_ =	sdelay $0x4  }
0x15d: {  	v10 =	vmul.f32 v10, v8;
	_ =	sdelay $0x1  }
0x15e: {  	v62 =	vld [tilespmem:$0x7A0];
	[tilespmem:$0x1180] =	vst v10  }
0x15f: {  	v10 =	vld.idx.msk [tilespmem:v61+s17+$0x0], $0xffff;
	_ =	sdelay $0x4  }
0x160: {  	v10 =	vmul.f32 v10, v8;
	_ =	sdelay $0x1  }
0x161: {  	v63 =	vld [tilespmem:$0x7B0];
	[tilespmem:$0x1190] =	vst v10  }
0x162: {  	v10 =	vld.idx.msk [tilespmem:v62+s17+$0x0], $0xffff;
	_ =	sdelay $0x4  }
0x163: {  	v10 =	vmul.f32 v10, v8;
	_ =	sdelay $0x1  }
0x164: {  	v12 =	vld [tilespmem:$0x7C0];
	[tilespmem:$0x11A0] =	vst v10  }
0x165: {  	v10 =	vld.idx.msk [tilespmem:v63+s17+$0x0], $0xffff;
	_ =	sdelay $0x4  }
0x166: {  	v10 =	vmul.f32 v10, v8;
	_ =	sdelay $0x1  }
0x167: {  	v13 =	vld [tilespmem:$0x7D0];
	[tilespmem:$0x11B0] =	vst v10  }
0x168: {  	v10 =	vld.idx.msk [tilespmem:v12+s17+$0x0], $0xffff;
	_ =	sdelay $0x4  }
0x169: {  	v10 =	vmul.f32 v10, v8;
	_ =	sdelay $0x1  }
0x16a: {  	v14 =	vld [tilespmem:$0x7E0];
	[tilespmem:$0x11C0] =	vst v10  }
0x16b: {  	v10 =	vld.idx.msk [tilespmem:v13+s17+$0x0], $0xffff;
	_ =	sdelay $0x4  }
0x16c: {  	v10 =	vmul.f32 v10, v8;
	_ =	sdelay $0x1  }
0x16d: {  	v15 =	vld [tilespmem:$0x7F0];
	[tilespmem:$0x11D0] =	vst v10  }
0x16e: {  	v10 =	vld.idx.msk [tilespmem:v14+s17+$0x0], $0xffff;
	_ =	sdelay $0x4  }
0x16f: {  	v10 =	vmul.f32 v10, v8;
	_ =	sdelay $0x1  }
0x170: {  	v16 =	vld [tilespmem:$0x800];
	[tilespmem:$0x11E0] =	vst v10  }
0x171: {  	v10 =	vld.idx.msk [tilespmem:v15+s17+$0x0], $0xffff;
	_ =	sdelay $0x4  }
0x172: {  	v10 =	vmul.f32 v10, v8;
	_ =	sdelay $0x1  }
0x173: {  	v17 =	vld [tilespmem:$0x810];
	[tilespmem:$0x11F0] =	vst v10  }
0x174: {  	v10 =	vld.idx.msk [tilespmem:v16+s17+$0x0], $0xffff;
	_ =	sdelay $0x4  }
0x175: {  	v10 =	vmul.f32 v10, v8;
	_ =	sdelay $0x1  }
0x176: {  	v18 =	vld [tilespmem:$0x820];
	[tilespmem:$0x1200] =	vst v10  }
0x177: {  	v10 =	vld.idx.msk [tilespmem:v17+s17+$0x0], $0xffff;
	_ =	sdelay $0x4  }
0x178: {  	v10 =	vmul.f32 v10, v8;
	_ =	sdelay $0x1  }
0x179: {  	v19 =	vld [tilespmem:$0x830];
	[tilespmem:$0x1210] =	vst v10  }
0x17a: {  	v10 =	vld.idx.msk [tilespmem:v18+s17+$0x0], $0xffff;
	_ =	sdelay $0x4  }
0x17b: {  	v10 =	vmul.f32 v10, v8;
	_ =	sdelay $0x1  }
0x17c: {  	v20 =	vld [tilespmem:$0x840];
	[tilespmem:$0x1220] =	vst v10  }
0x17d: {  	v10 =	vld.idx.msk [tilespmem:v19+s17+$0x0], $0xffff;
	_ =	sdelay $0x4  }
0x17e: {  	v10 =	vmul.f32 v10, v8;
	_ =	sdelay $0x1  }
0x17f: {  	v21 =	vld [tilespmem:$0x850];
	[tilespmem:$0x1230] =	vst v10  }
0x180: {  	v10 =	vld.idx.msk [tilespmem:v20+s17+$0x0], $0xffff;
	_ =	sdelay $0x4  }
0x181: {  	v10 =	vmul.f32 v10, v8;
	_ =	sdelay $0x1  }
0x182: {  	v22 =	vld [tilespmem:$0x860];
	[tilespmem:$0x1240] =	vst v10  }
0x183: {  	v10 =	vld.idx.msk [tilespmem:v21+s17+$0x0], $0xffff;
	_ =	sdelay $0x4  }
0x184: {  	v10 =	vmul.f32 v10, v8;
	_ =	sdelay $0x1  }
0x185: {  	v23 =	vld [tilespmem:$0x870];
	[tilespmem:$0x1250] =	vst v10  }
0x186: {  	v10 =	vld.idx.msk [tilespmem:v22+s17+$0x0], $0xffff;
	_ =	sdelay $0x4  }
0x187: {  	v10 =	vmul.f32 v10, v8;
	_ =	sdelay $0x1  }
0x188: {  	v24 =	vld [tilespmem:$0x880];
	[tilespmem:$0x1260] =	vst v10  }
0x189: {  	v10 =	vld.idx.msk [tilespmem:v23+s17+$0x0], $0xffff;
	_ =	sdelay $0x4  }
0x18a: {  	v10 =	vmul.f32 v10, v8;
	_ =	sdelay $0x1  }
0x18b: {  	v25 =	vld [tilespmem:$0x890];
	[tilespmem:$0x1270] =	vst v10  }
0x18c: {  	v10 =	vld.idx.msk [tilespmem:v24+s17+$0x0], $0xffff;
	_ =	sdelay $0x4  }
0x18d: {  	v10 =	vmul.f32 v10, v8;
	_ =	sdelay $0x1  }
0x18e: {  	v26 =	vld [tilespmem:$0x8A0];
	[tilespmem:$0x1280] =	vst v10  }
0x18f: {  	v10 =	vld.idx.msk [tilespmem:v25+s17+$0x0], $0xffff;
	_ =	sdelay $0x4  }
0x190: {  	v10 =	vmul.f32 v10, v8;
	_ =	sdelay $0x1  }
0x191: {  	v27 =	vld [tilespmem:$0x8B0];
	[tilespmem:$0x1290] =	vst v10  }
0x192: {  	v10 =	vld.idx.msk [tilespmem:v26+s17+$0x0], $0xffff;
	_ =	sdelay $0x4  }
0x193: {  	v10 =	vmul.f32 v10, v8;
	_ =	sdelay $0x1  }
0x194: {  	v28 =	vld [tilespmem:$0x8C0];
	[tilespmem:$0x12A0] =	vst v10  }
0x195: {  	v10 =	vld.idx.msk [tilespmem:v27+s17+$0x0], $0xffff;
	_ =	sdelay $0x4  }
0x196: {  	v10 =	vmul.f32 v10, v8;
	_ =	sdelay $0x1  }
0x197: {  	v29 =	vld [tilespmem:$0x8D0];
	[tilespmem:$0x12B0] =	vst v10  }
0x198: {  	v10 =	vld.idx.msk [tilespmem:v28+s17+$0x0], $0xffff;
	_ =	sdelay $0x4  }
0x199: {  	v10 =	vmul.f32 v10, v8;
	_ =	sdelay $0x1  }
0x19a: {  	v30 =	vld [tilespmem:$0x8E0];
	[tilespmem:$0x12C0] =	vst v10  }
0x19b: {  	v10 =	vld.idx.msk [tilespmem:v29+s17+$0x0], $0xffff;
	_ =	sdelay $0x4  }
0x19c: {  	v10 =	vmul.f32 v10, v8;
	_ =	sdelay $0x1  }
0x19d: {  	v31 =	vld [tilespmem:$0x8F0];
	[tilespmem:$0x12D0] =	vst v10  }
0x19e: {  	v10 =	vld.idx.msk [tilespmem:v30+s17+$0x0], $0xffff;
	_ =	sdelay $0x4  }
0x19f: {  	v10 =	vmul.f32 v10, v8;
	_ =	sdelay $0x1  }
0x1a0: {  	v32 =	vld [tilespmem:$0x900];
	[tilespmem:$0x12E0] =	vst v10  }
0x1a1: {  	v10 =	vld.idx.msk [tilespmem:v31+s17+$0x0], $0xffff;
	_ =	sdelay $0x4  }
0x1a2: {  	v10 =	vmul.f32 v10, v8;
	_ =	sdelay $0x1  }
0x1a3: {  	v33 =	vld [tilespmem:$0x910];
	[tilespmem:$0x12F0] =	vst v10  }
0x1a4: {  	v10 =	vld.idx.msk [tilespmem:v32+s17+$0x0], $0xffff;
	_ =	sdelay $0x4  }
0x1a5: {  	v10 =	vmul.f32 v10, v8;
	_ =	sdelay $0x1  }
0x1a6: {  	v34 =	vld [tilespmem:$0x920];
	[tilespmem:$0x1300] =	vst v10  }
0x1a7: {  	v10 =	vld.idx.msk [tilespmem:v33+s17+$0x0], $0xffff;
	_ =	sdelay $0x4  }
0x1a8: {  	v10 =	vmul.f32 v10, v8;
	_ =	sdelay $0x1  }
0x1a9: {  	v35 =	vld [tilespmem:$0x930];
	[tilespmem:$0x1310] =	vst v10  }
0x1aa: {  	v10 =	vld.idx.msk [tilespmem:v34+s17+$0x0], $0xffff;
	_ =	sdelay $0x4  }
0x1ab: {  	v10 =	vmul.f32 v10, v8;
	_ =	sdelay $0x1  }
0x1ac: {  	v36 =	vld [tilespmem:$0x940];
	[tilespmem:$0x1320] =	vst v10  }
0x1ad: {  	v10 =	vld.idx.msk [tilespmem:v35+s17+$0x0], $0xffff;
	_ =	sdelay $0x4  }
0x1ae: {  	v10 =	vmul.f32 v10, v8;
	_ =	sdelay $0x1  }
0x1af: {  	v37 =	vld [tilespmem:$0x950];
	[tilespmem:$0x1330] =	vst v10  }
0x1b0: {  	v10 =	vld.idx.msk [tilespmem:v36+s17+$0x0], $0xffff;
	_ =	sdelay $0x4  }
0x1b1: {  	v10 =	vmul.f32 v10, v8;
	_ =	sdelay $0x1  }
0x1b2: {  	v38 =	vld [tilespmem:$0x960];
	[tilespmem:$0x1340] =	vst v10  }
0x1b3: {  	v10 =	vld.idx.msk [tilespmem:v37+s17+$0x0], $0xffff;
	_ =	sdelay $0x4  }
0x1b4: {  	v10 =	vmul.f32 v10, v8;
	_ =	sdelay $0x1  }
0x1b5: {  	v39 =	vld [tilespmem:$0x970];
	[tilespmem:$0x1350] =	vst v10  }
0x1b6: {  	v10 =	vld.idx.msk [tilespmem:v38+s17+$0x0], $0xffff;
	_ =	sdelay $0x4  }
0x1b7: {  	v10 =	vmul.f32 v10, v8;
	_ =	sdelay $0x1  }
0x1b8: {  	[tilespmem:$0x1360] =	vst v10  }
0x1b9: {  	v10 =	vld.idx.msk [tilespmem:v39+s17+$0x0], $0xffff;
	_ =	sdelay $0x4  }
0x1ba: {  	v10 =	vmul.f32 v10, v8;
	_ =	sdelay $0x1  }
0x1bb: {  	[tilespmem:$0x1370] =	vst v10  }
0x1bc: {  	[hbm4b:s9+s4] =	stream.linear.scatter [tilespmem:s22], [sflag:$0x4], $0x280, $0x38;
	[tilespmem:$0x1A00] =	vst v63  }
0x1bd: {  	v40 =	vld [tilespmem:$0x980];
	_ =	sdelay $0x6  }
0x1be: {  	v41 =	vld [tilespmem:$0x990]  }
0x1bf: {  	v10 =	vld.idx.msk [tilespmem:v40+s17+$0x0], $0xffff;
	_ =	sdelay $0x4  }
0x1c0: {  	v10 =	vmul.f32 v10, v8;
	_ =	sdelay $0x1  }
0x1c1: {  	v42 =	vld [tilespmem:$0x9A0];
	[tilespmem:$0x1380] =	vst v10  }
0x1c2: {  	v10 =	vld.idx.msk [tilespmem:v41+s17+$0x0], $0xffff;
	_ =	sdelay $0x4  }
0x1c3: {  	v10 =	vmul.f32 v10, v8;
	_ =	sdelay $0x1  }
0x1c4: {  	v43 =	vld [tilespmem:$0x9B0];
	[tilespmem:$0x1390] =	vst v10  }
0x1c5: {  	v10 =	vld.idx.msk [tilespmem:v42+s17+$0x0], $0xffff;
	_ =	sdelay $0x4  }
0x1c6: {  	v10 =	vmul.f32 v10, v8;
	_ =	sdelay $0x1  }
0x1c7: {  	v44 =	vld [tilespmem:$0x9C0];
	[tilespmem:$0x13A0] =	vst v10  }
0x1c8: {  	v10 =	vld.idx.msk [tilespmem:v43+s17+$0x0], $0xffff;
	_ =	sdelay $0x4  }
0x1c9: {  	v10 =	vmul.f32 v10, v8;
	_ =	sdelay $0x1  }
0x1ca: {  	v45 =	vld [tilespmem:$0x9D0];
	[tilespmem:$0x13B0] =	vst v10  }
0x1cb: {  	v10 =	vld.idx.msk [tilespmem:v44+s17+$0x0], $0xffff;
	_ =	sdelay $0x4  }
0x1cc: {  	v10 =	vmul.f32 v10, v8;
	_ =	sdelay $0x1  }
0x1cd: {  	v46 =	vld [tilespmem:$0x9E0];
	[tilespmem:$0x13C0] =	vst v10  }
0x1ce: {  	v10 =	vld.idx.msk [tilespmem:v45+s17+$0x0], $0xffff;
	_ =	sdelay $0x4  }
0x1cf: {  	v10 =	vmul.f32 v10, v8;
	_ =	sdelay $0x1  }
0x1d0: {  	v47 =	vld [tilespmem:$0x9F0];
	[tilespmem:$0x13D0] =	vst v10  }
0x1d1: {  	v10 =	vld.idx.msk [tilespmem:v46+s17+$0x0], $0xffff;
	_ =	sdelay $0x4  }
0x1d2: {  	v10 =	vmul.f32 v10, v8;
	_ =	sdelay $0x1  }
0x1d3: {  	v48 =	vld [tilespmem:$0xA00];
	[tilespmem:$0x13E0] =	vst v10  }
0x1d4: {  	v10 =	vld.idx.msk [tilespmem:v47+s17+$0x0], $0xffff;
	_ =	sdelay $0x4  }
0x1d5: {  	v10 =	vmul.f32 v10, v8;
	_ =	sdelay $0x1  }
0x1d6: {  	v49 =	vld [tilespmem:$0xA10];
	[tilespmem:$0x13F0] =	vst v10  }
0x1d7: {  	v10 =	vld.idx.msk [tilespmem:v48+s17+$0x0], $0xffff;
	_ =	sdelay $0x4  }
0x1d8: {  	v10 =	vmul.f32 v10, v8;
	_ =	sdelay $0x1  }
0x1d9: {  	v50 =	vld [tilespmem:$0xA20];
	[tilespmem:$0x1400] =	vst v10  }
0x1da: {  	v10 =	vld.idx.msk [tilespmem:v49+s17+$0x0], $0xffff;
	_ =	sdelay $0x4  }
0x1db: {  	v10 =	vmul.f32 v10, v8;
	_ =	sdelay $0x1  }
0x1dc: {  	v51 =	vld [tilespmem:$0xA30];
	[tilespmem:$0x1410] =	vst v10  }
0x1dd: {  	v10 =	vld.idx.msk [tilespmem:v50+s17+$0x0], $0xffff;
	_ =	sdelay $0x4  }
0x1de: {  	v10 =	vmul.f32 v10, v8;
	_ =	sdelay $0x1  }
0x1df: {  	v52 =	vld [tilespmem:$0xA40];
	[tilespmem:$0x1420] =	vst v10  }
0x1e0: {  	v10 =	vld.idx.msk [tilespmem:v51+s17+$0x0], $0xffff;
	_ =	sdelay $0x4  }
0x1e1: {  	v10 =	vmul.f32 v10, v8;
	_ =	sdelay $0x1  }
0x1e2: {  	v53 =	vld [tilespmem:$0xA50];
	[tilespmem:$0x1430] =	vst v10  }
0x1e3: {  	v10 =	vld.idx.msk [tilespmem:v52+s17+$0x0], $0xffff;
	_ =	sdelay $0x4  }
0x1e4: {  	v10 =	vmul.f32 v10, v8;
	_ =	sdelay $0x1  }
0x1e5: {  	v54 =	vld [tilespmem:$0xA60];
	[tilespmem:$0x1440] =	vst v10  }
0x1e6: {  	v10 =	vld.idx.msk [tilespmem:v53+s17+$0x0], $0xffff;
	_ =	sdelay $0x4  }
0x1e7: {  	v10 =	vmul.f32 v10, v8;
	_ =	sdelay $0x1  }
0x1e8: {  	v55 =	vld [tilespmem:$0xA70];
	[tilespmem:$0x1450] =	vst v10  }
0x1e9: {  	v10 =	vld.idx.msk [tilespmem:v54+s17+$0x0], $0xffff;
	_ =	sdelay $0x4  }
0x1ea: {  	v10 =	vmul.f32 v10, v8;
	_ =	sdelay $0x1  }
0x1eb: {  	v56 =	vld [tilespmem:$0xA80];
	[tilespmem:$0x1460] =	vst v10  }
0x1ec: {  	v10 =	vld.idx.msk [tilespmem:v55+s17+$0x0], $0xffff;
	_ =	sdelay $0x4  }
0x1ed: {  	v10 =	vmul.f32 v10, v8;
	_ =	sdelay $0x1  }
0x1ee: {  	v57 =	vld [tilespmem:$0xA90];
	[tilespmem:$0x1470] =	vst v10  }
0x1ef: {  	v10 =	vld.idx.msk [tilespmem:v56+s17+$0x0], $0xffff;
	_ =	sdelay $0x4  }
0x1f0: {  	v10 =	vmul.f32 v10, v8;
	_ =	sdelay $0x1  }
0x1f1: {  	v58 =	vld [tilespmem:$0xAA0];
	[tilespmem:$0x1480] =	vst v10  }
0x1f2: {  	v10 =	vld.idx.msk [tilespmem:v57+s17+$0x0], $0xffff;
	_ =	sdelay $0x4  }
0x1f3: {  	v10 =	vmul.f32 v10, v8;
	_ =	sdelay $0x1  }
0x1f4: {  	v59 =	vld [tilespmem:$0xAB0];
	[tilespmem:$0x1490] =	vst v10  }
0x1f5: {  	v10 =	vld.idx.msk [tilespmem:v58+s17+$0x0], $0xffff;
	_ =	sdelay $0x4  }
0x1f6: {  	v10 =	vmul.f32 v10, v8;
	_ =	sdelay $0x1  }
0x1f7: {  	v60 =	vld [tilespmem:$0xAC0];
	[tilespmem:$0x14A0] =	vst v10  }
0x1f8: {  	v10 =	vld.idx.msk [tilespmem:v59+s17+$0x0], $0xffff;
	_ =	sdelay $0x4  }
0x1f9: {  	v10 =	vmul.f32 v10, v8;
	_ =	sdelay $0x1  }
0x1fa: {  	v61 =	vld [tilespmem:$0xAD0];
	[tilespmem:$0x14B0] =	vst v10  }
0x1fb: {  	v10 =	vld.idx.msk [tilespmem:v60+s17+$0x0], $0xffff;
	_ =	sdelay $0x4  }
0x1fc: {  	v10 =	vmul.f32 v10, v8;
	_ =	sdelay $0x1  }
0x1fd: {  	v62 =	vld [tilespmem:$0xAE0];
	[tilespmem:$0x14C0] =	vst v10  }
0x1fe: {  	v10 =	vld.idx.msk [tilespmem:v61+s17+$0x0], $0xffff;
	_ =	sdelay $0x4  }
0x1ff: {  	v10 =	vmul.f32 v10, v8;
	_ =	sdelay $0x1  }
0x200: {  	v63 =	vld [tilespmem:$0xAF0];
	[tilespmem:$0x14D0] =	vst v10  }
0x201: {  	v10 =	vld.idx.msk [tilespmem:v62+s17+$0x0], $0xffff;
	_ =	sdelay $0x4  }
0x202: {  	v10 =	vmul.f32 v10, v8;
	_ =	sdelay $0x1  }
0x203: {  	v12 =	vld [tilespmem:$0xB00];
	[tilespmem:$0x14E0] =	vst v10  }
0x204: {  	v10 =	vld.idx.msk [tilespmem:v63+s17+$0x0], $0xffff;
	_ =	sdelay $0x4  }
0x205: {  	v10 =	vmul.f32 v10, v8;
	_ =	sdelay $0x1  }
0x206: {  	v13 =	vld [tilespmem:$0xB10];
	[tilespmem:$0x14F0] =	vst v10  }
0x207: {  	v10 =	vld.idx.msk [tilespmem:v12+s17+$0x0], $0xffff;
	_ =	sdelay $0x4  }
0x208: {  	v10 =	vmul.f32 v10, v8;
	_ =	sdelay $0x1  }
0x209: {  	v14 =	vld [tilespmem:$0xB20];
	[tilespmem:$0x1500] =	vst v10  }
0x20a: {  	v10 =	vld.idx.msk [tilespmem:v13+s17+$0x0], $0xffff;
	_ =	sdelay $0x4  }
0x20b: {  	v10 =	vmul.f32 v10, v8;
	_ =	sdelay $0x1  }
0x20c: {  	v15 =	vld [tilespmem:$0xB30];
	[tilespmem:$0x1510] =	vst v10  }
0x20d: {  	v10 =	vld.idx.msk [tilespmem:v14+s17+$0x0], $0xffff;
	_ =	sdelay $0x4  }
0x20e: {  	v10 =	vmul.f32 v10, v8;
	_ =	sdelay $0x1  }
0x20f: {  	v16 =	vld [tilespmem:$0xB40];
	[tilespmem:$0x1520] =	vst v10  }
0x210: {  	v10 =	vld.idx.msk [tilespmem:v15+s17+$0x0], $0xffff;
	_ =	sdelay $0x4  }
0x211: {  	v10 =	vmul.f32 v10, v8;
	_ =	sdelay $0x1  }
0x212: {  	v17 =	vld [tilespmem:$0xB50];
	[tilespmem:$0x1530] =	vst v10  }
0x213: {  	v10 =	vld.idx.msk [tilespmem:v16+s17+$0x0], $0xffff;
	_ =	sdelay $0x4  }
0x214: {  	v10 =	vmul.f32 v10, v8;
	_ =	sdelay $0x1  }
0x215: {  	v18 =	vld [tilespmem:$0xB60];
	[tilespmem:$0x1540] =	vst v10  }
0x216: {  	v10 =	vld.idx.msk [tilespmem:v17+s17+$0x0], $0xffff;
	_ =	sdelay $0x4  }
0x217: {  	v10 =	vmul.f32 v10, v8;
	_ =	sdelay $0x1  }
0x218: {  	v19 =	vld [tilespmem:$0xB70];
	[tilespmem:$0x1550] =	vst v10  }
0x219: {  	v10 =	vld.idx.msk [tilespmem:v18+s17+$0x0], $0xffff;
	_ =	sdelay $0x4  }
0x21a: {  	v10 =	vmul.f32 v10, v8;
	_ =	sdelay $0x1  }
0x21b: {  	v20 =	vld [tilespmem:$0xB80];
	[tilespmem:$0x1560] =	vst v10  }
0x21c: {  	v10 =	vld.idx.msk [tilespmem:v19+s17+$0x0], $0xffff;
	_ =	sdelay $0x4  }
0x21d: {  	v10 =	vmul.f32 v10, v8;
	_ =	sdelay $0x1  }
0x21e: {  	v21 =	vld [tilespmem:$0xB90];
	[tilespmem:$0x1570] =	vst v10  }
0x21f: {  	v10 =	vld.idx.msk [tilespmem:v20+s17+$0x0], $0xffff;
	_ =	sdelay $0x4  }
0x220: {  	v10 =	vmul.f32 v10, v8;
	_ =	sdelay $0x1  }
0x221: {  	v22 =	vld [tilespmem:$0xBA0];
	[tilespmem:$0x1580] =	vst v10  }
0x222: {  	v10 =	vld.idx.msk [tilespmem:v21+s17+$0x0], $0xffff;
	_ =	sdelay $0x4  }
0x223: {  	v10 =	vmul.f32 v10, v8;
	_ =	sdelay $0x1  }
0x224: {  	v23 =	vld [tilespmem:$0xBB0];
	[tilespmem:$0x1590] =	vst v10  }
0x225: {  	v10 =	vld.idx.msk [tilespmem:v22+s17+$0x0], $0xffff;
	_ =	sdelay $0x4  }
0x226: {  	v10 =	vmul.f32 v10, v8;
	_ =	sdelay $0x1  }
0x227: {  	v24 =	vld [tilespmem:$0xBC0];
	[tilespmem:$0x15A0] =	vst v10  }
0x228: {  	v10 =	vld.idx.msk [tilespmem:v23+s17+$0x0], $0xffff;
	_ =	sdelay $0x4  }
0x229: {  	v10 =	vmul.f32 v10, v8;
	_ =	sdelay $0x1  }
0x22a: {  	v25 =	vld [tilespmem:$0xBD0];
	[tilespmem:$0x15B0] =	vst v10  }
0x22b: {  	v10 =	vld.idx.msk [tilespmem:v24+s17+$0x0], $0xffff;
	_ =	sdelay $0x4  }
0x22c: {  	v10 =	vmul.f32 v10, v8  }
0x22d: {  	v9 =	vadd.f32 $0.0e+00, v9  }
0x22e: {  	v12 =	vld [tilespmem:$0xBE0];
	[tilespmem:$0x15C0] =	vst v10  }
0x22f: {  	v26 =	vperm.xlane v9, v4;
	v10 =	vld.idx.msk [tilespmem:v25+s17+$0x0], $0xffff;
	_ =	sdelay $0x1  }
0x230: {  	v9 =	vadd.f32 v9, v26;
	_ =	sdelay $0x1  }
0x231: {  	v11 =	vperm.xlane v9, v5  }
0x232: {  	v10 =	vmul.f32 v10, v8  }
0x233: {  	v9 =	vadd.f32 v9, v11  }
0x234: {  	v29 =	vld [tilespmem:$0xBF0];
	[tilespmem:$0x15D0] =	vst v10  }
0x235: {  	v27 =	vperm.xlane v9, v6;
	v28 =	vld.idx.msk [tilespmem:v12+s17+$0x0], $0xffff;
	_ =	sdelay $0x1  }
0x236: {  	v9 =	vadd.f32 v9, v27;
	_ =	sdelay $0x1  }
0x237: {  	v10 =	vperm.xlane v9, v7  }
0x238: {  	v30 =	vmul.f32 v28, v8  }
0x239: {  	v9 =	vadd.f32 v9, v10  }
0x23a: {  	[tilespmem:$0x15E0] =	vst v30  }
0x23b: {  	(erf) = vrcp.f32 v9;
	v31 =	vld.idx.msk [tilespmem:v29+s17+$0x0], $0xffff;
	_ =	sdelay $0x4  }
0x23c: {  	v8 =	vmul.f32 v31, v8;
	_ =	sdelay $0x2  }
0x23d: {  	[tilespmem:$0x15F0] =	vst v8  }
0x23e: {  	[hbm4b:s10+s4] =	stream.linear.scatter [tilespmem:s23], [sflag:$0x4], $0x280, $0x38;
	v8 =	vpop (erf);
	[tilespmem:$0x1A00] =	vst v63  }
0x23f: {  	_ =	swait.ge [sflag:s24], $0x200  }
0x240: {  	[sflag:s24] =	ssyncset.done $0x0  }
0x241: {  	[sflag:s24] =	ssyncadd.s32 $0xFFFFFE00  }
0x242: {  	v32 =	vld [tilespmem:$0x1600];
	_ =	sdelay $0x6  }
0x243: {  	v33 =	vld [tilespmem:$0x1610]  }
0x244: {  	v9 =	vld.idx.msk [tilespmem:v32+s18+$0x0], $0xffff;
	_ =	sdelay $0x4  }
0x245: {  	v9 =	vmul.f32 v9, v8;
	_ =	sdelay $0x1  }
0x246: {  	v34 =	vld [tilespmem:$0x1620];
	[tilespmem:$0x1800] =	vst v9  }
0x247: {  	v9 =	vld.idx.msk [tilespmem:v33+s18+$0x0], $0xffff;
	_ =	sdelay $0x4  }
0x248: {  	v9 =	vmul.f32 v9, v8;
	_ =	sdelay $0x1  }
0x249: {  	v35 =	vld [tilespmem:$0x1630];
	[tilespmem:$0x1810] =	vst v9  }
0x24a: {  	v9 =	vld.idx.msk [tilespmem:v34+s18+$0x0], $0xffff;
	_ =	sdelay $0x4  }
0x24b: {  	v9 =	vmul.f32 v9, v8;
	_ =	sdelay $0x1  }
0x24c: {  	v36 =	vld [tilespmem:$0x1640];
	[tilespmem:$0x1820] =	vst v9  }
0x24d: {  	v9 =	vld.idx.msk [tilespmem:v35+s18+$0x0], $0xffff;
	_ =	sdelay $0x4  }
0x24e: {  	v9 =	vmul.f32 v9, v8;
	_ =	sdelay $0x1  }
0x24f: {  	v37 =	vld [tilespmem:$0x1650];
	[tilespmem:$0x1830] =	vst v9  }
0x250: {  	v9 =	vld.idx.msk [tilespmem:v36+s18+$0x0], $0xffff;
	_ =	sdelay $0x4  }
0x251: {  	v9 =	vmul.f32 v9, v8;
	_ =	sdelay $0x1  }
0x252: {  	v38 =	vld [tilespmem:$0x1660];
	[tilespmem:$0x1840] =	vst v9  }
0x253: {  	v9 =	vld.idx.msk [tilespmem:v37+s18+$0x0], $0xffff;
	_ =	sdelay $0x4  }
0x254: {  	v9 =	vmul.f32 v9, v8;
	_ =	sdelay $0x1  }
0x255: {  	v39 =	vld [tilespmem:$0x1670];
	[tilespmem:$0x1850] =	vst v9  }
0x256: {  	v9 =	vld.idx.msk [tilespmem:v38+s18+$0x0], $0xffff;
	_ =	sdelay $0x4  }
0x257: {  	v9 =	vmul.f32 v9, v8;
	_ =	sdelay $0x1  }
0x258: {  	v40 =	vld [tilespmem:$0x1680];
	[tilespmem:$0x1860] =	vst v9  }
0x259: {  	v9 =	vld.idx.msk [tilespmem:v39+s18+$0x0], $0xffff;
	_ =	sdelay $0x4  }
0x25a: {  	v9 =	vmul.f32 v9, v8;
	_ =	sdelay $0x1  }
0x25b: {  	v41 =	vld [tilespmem:$0x1690];
	[tilespmem:$0x1870] =	vst v9  }
0x25c: {  	v9 =	vld.idx.msk [tilespmem:v40+s18+$0x0], $0xffff;
	_ =	sdelay $0x4  }
0x25d: {  	v9 =	vmul.f32 v9, v8;
	_ =	sdelay $0x1  }
0x25e: {  	v42 =	vld [tilespmem:$0x16A0];
	[tilespmem:$0x1880] =	vst v9  }
0x25f: {  	v9 =	vld.idx.msk [tilespmem:v41+s18+$0x0], $0xffff;
	_ =	sdelay $0x4  }
0x260: {  	v9 =	vmul.f32 v9, v8;
	_ =	sdelay $0x1  }
0x261: {  	v43 =	vld [tilespmem:$0x16B0];
	[tilespmem:$0x1890] =	vst v9  }
0x262: {  	v9 =	vld.idx.msk [tilespmem:v42+s18+$0x0], $0xffff;
	_ =	sdelay $0x4  }
0x263: {  	v9 =	vmul.f32 v9, v8;
	_ =	sdelay $0x1  }
0x264: {  	v44 =	vld [tilespmem:$0x16C0];
	[tilespmem:$0x18A0] =	vst v9  }
0x265: {  	v9 =	vld.idx.msk [tilespmem:v43+s18+$0x0], $0xffff;
	_ =	sdelay $0x4  }
0x266: {  	v9 =	vmul.f32 v9, v8;
	_ =	sdelay $0x1  }
0x267: {  	v45 =	vld [tilespmem:$0x16D0];
	[tilespmem:$0x18B0] =	vst v9  }
0x268: {  	v9 =	vld.idx.msk [tilespmem:v44+s18+$0x0], $0xffff;
	_ =	sdelay $0x4  }
0x269: {  	v9 =	vmul.f32 v9, v8;
	_ =	sdelay $0x1  }
0x26a: {  	v46 =	vld [tilespmem:$0x16E0];
	[tilespmem:$0x18C0] =	vst v9  }
0x26b: {  	v9 =	vld.idx.msk [tilespmem:v45+s18+$0x0], $0xffff;
	_ =	sdelay $0x4  }
0x26c: {  	v9 =	vmul.f32 v9, v8;
	_ =	sdelay $0x1  }
0x26d: {  	v47 =	vld [tilespmem:$0x16F0];
	[tilespmem:$0x18D0] =	vst v9  }
0x26e: {  	v9 =	vld.idx.msk [tilespmem:v46+s18+$0x0], $0xffff;
	_ =	sdelay $0x4  }
0x26f: {  	v9 =	vmul.f32 v9, v8;
	_ =	sdelay $0x1  }
0x270: {  	v48 =	vld [tilespmem:$0x1700];
	[tilespmem:$0x18E0] =	vst v9  }
0x271: {  	v9 =	vld.idx.msk [tilespmem:v47+s18+$0x0], $0xffff;
	_ =	sdelay $0x4  }
0x272: {  	v9 =	vmul.f32 v9, v8;
	_ =	sdelay $0x1  }
0x273: {  	v49 =	vld [tilespmem:$0x1710];
	[tilespmem:$0x18F0] =	vst v9  }
0x274: {  	v9 =	vld.idx.msk [tilespmem:v48+s18+$0x0], $0xffff;
	_ =	sdelay $0x4  }
0x275: {  	v9 =	vmul.f32 v9, v8;
	_ =	sdelay $0x1  }
0x276: {  	v50 =	vld [tilespmem:$0x1720];
	[tilespmem:$0x1900] =	vst v9  }
0x277: {  	v9 =	vld.idx.msk [tilespmem:v49+s18+$0x0], $0xffff;
	_ =	sdelay $0x4  }
0x278: {  	v9 =	vmul.f32 v9, v8;
	_ =	sdelay $0x1  }
0x279: {  	v51 =	vld [tilespmem:$0x1730];
	[tilespmem:$0x1910] =	vst v9  }
0x27a: {  	v9 =	vld.idx.msk [tilespmem:v50+s18+$0x0], $0xffff;
	_ =	sdelay $0x4  }
0x27b: {  	v9 =	vmul.f32 v9, v8;
	_ =	sdelay $0x1  }
0x27c: {  	v52 =	vld [tilespmem:$0x1740];
	[tilespmem:$0x1920] =	vst v9  }
0x27d: {  	v9 =	vld.idx.msk [tilespmem:v51+s18+$0x0], $0xffff;
	_ =	sdelay $0x4  }
0x27e: {  	v9 =	vmul.f32 v9, v8;
	_ =	sdelay $0x1  }
0x27f: {  	v53 =	vld [tilespmem:$0x1750];
	[tilespmem:$0x1930] =	vst v9  }
0x280: {  	v9 =	vld.idx.msk [tilespmem:v52+s18+$0x0], $0xffff;
	_ =	sdelay $0x4  }
0x281: {  	v9 =	vmul.f32 v9, v8;
	_ =	sdelay $0x1  }
0x282: {  	v54 =	vld [tilespmem:$0x1760];
	[tilespmem:$0x1940] =	vst v9  }
0x283: {  	v9 =	vld.idx.msk [tilespmem:v53+s18+$0x0], $0xffff;
	_ =	sdelay $0x4  }
0x284: {  	v9 =	vmul.f32 v9, v8;
	_ =	sdelay $0x1  }
0x285: {  	v55 =	vld [tilespmem:$0x1770];
	[tilespmem:$0x1950] =	vst v9  }
0x286: {  	v9 =	vld.idx.msk [tilespmem:v54+s18+$0x0], $0xffff;
	_ =	sdelay $0x4  }
0x287: {  	v9 =	vmul.f32 v9, v8;
	_ =	sdelay $0x1  }
0x288: {  	v56 =	vld [tilespmem:$0x1780];
	[tilespmem:$0x1960] =	vst v9  }
0x289: {  	v9 =	vld.idx.msk [tilespmem:v55+s18+$0x0], $0xffff;
	_ =	sdelay $0x4  }
0x28a: {  	v9 =	vmul.f32 v9, v8;
	_ =	sdelay $0x1  }
0x28b: {  	v57 =	vld [tilespmem:$0x1790];
	[tilespmem:$0x1970] =	vst v9  }
0x28c: {  	v9 =	vld.idx.msk [tilespmem:v56+s18+$0x0], $0xffff;
	_ =	sdelay $0x4  }
0x28d: {  	v9 =	vmul.f32 v9, v8;
	_ =	sdelay $0x1  }
0x28e: {  	v58 =	vld [tilespmem:$0x17A0];
	[tilespmem:$0x1980] =	vst v9  }
0x28f: {  	v9 =	vld.idx.msk [tilespmem:v57+s18+$0x0], $0xffff;
	_ =	sdelay $0x4  }
0x290: {  	v9 =	vmul.f32 v9, v8;
	_ =	sdelay $0x1  }
0x291: {  	v59 =	vld [tilespmem:$0x17B0];
	[tilespmem:$0x1990] =	vst v9  }
0x292: {  	v9 =	vld.idx.msk [tilespmem:v58+s18+$0x0], $0xffff;
	_ =	sdelay $0x4  }
0x293: {  	v9 =	vmul.f32 v9, v8;
	_ =	sdelay $0x1  }
0x294: {  	v60 =	vld [tilespmem:$0x17C0];
	[tilespmem:$0x19A0] =	vst v9  }
0x295: {  	v9 =	vld.idx.msk [tilespmem:v59+s18+$0x0], $0xffff;
	_ =	sdelay $0x4  }
0x296: {  	v9 =	vmul.f32 v9, v8;
	_ =	sdelay $0x1  }
0x297: {  	v61 =	vld [tilespmem:$0x17D0];
	[tilespmem:$0x19B0] =	vst v9  }
0x298: {  	v9 =	vld.idx.msk [tilespmem:v60+s18+$0x0], $0xffff;
	_ =	sdelay $0x4  }
0x299: {  	v9 =	vmul.f32 v9, v8;
	_ =	sdelay $0x1  }
0x29a: {  	v62 =	vld [tilespmem:$0x17E0];
	[tilespmem:$0x19C0] =	vst v9  }
0x29b: {  	v9 =	vld.idx.msk [tilespmem:v61+s18+$0x0], $0xffff;
	_ =	sdelay $0x4  }
0x29c: {  	v9 =	vmul.f32 v9, v8;
	_ =	sdelay $0x1  }
0x29d: {  	v63 =	vld [tilespmem:$0x17F0];
	[tilespmem:$0x19D0] =	vst v9  }
0x29e: {  	v9 =	vld.idx.msk [tilespmem:v62+s18+$0x0], $0xffff;
	_ =	sdelay $0x4  }
0x29f: {  	v9 =	vmul.f32 v9, v8;
	_ =	sdelay $0x1  }
0x2a0: {  	[tilespmem:$0x19E0] =	vst v9  }
0x2a1: {  	v9 =	vld.idx.msk [tilespmem:v63+s18+$0x0], $0xffff;
	_ =	sdelay $0x4  }
0x2a2: {  	v8 =	vmul.f32 v9, v8;
	_ =	sdelay $0x1  }
0x2a3: {  	[tilespmem:$0x19F0] =	vst v8  }
0x2a4: {  	[hbm4b:s11+s4] =	stream.linear.scatter [tilespmem:s25], [sflag:$0x4], $0x200, $0x38;
	[tilespmem:$0x1A00] =	vst v63  }
0x2a5: {  	_ =	swait.ge [sflag:s26], $0x280  }
0x2a6: {  	[sflag:s26] =	ssyncset.done $0x0  }
0x2a7: {  	[sflag:s26] =	ssyncadd.s32 $0xFFFFFD80  }
0x2a8: {  	_ =	swait.ge [sflag:s26], $0x280  }
0x2a9: {  	[sflag:s26] =	ssyncset.done $0x0  }
0x2aa: {  	[sflag:s26] =	ssyncadd.s32 $0xFFFFFD80  }
0x2ab: {  	_ =	swait.ge [sflag:s26], $0x280  }
0x2ac: {  	[sflag:s26] =	ssyncset.done $0x0  }
0x2ad: {  	[sflag:s26] =	ssyncadd.s32 $0xFFFFFD80  }
0x2ae: {  	p0 =	sne.s32 s12, $0x1;
	_ =	swait.ge [sflag:s26], $0x280  }
.Ltmp0:
0x2af: {  	[sflag:s26] =	ssyncset.done $0x0;
	(pc) =	sbr.rel @p0 .LBB2_1-.Ltmp0, $4  }
0x2b0: {  	[sflag:s26] =	ssyncadd.s32 $0xFFFFFD80  }
0x2b1: {  	_ =	swait.ge [sflag:s26], $0x200  }
0x2b2: {  	[sflag:s26] =	ssyncset.done $0x0  }
0x2b3: {  	s12 =	sadd.s32 $0xFFFFFFFF, s12;
	[sflag:s26] =	ssyncadd.s32 $0xFFFFFE00  }
0x2b4: {  	_ =	sfence.sel $0x180000  }
0x2b5: {  	[bflag:$0x0] =	sbarrier.arrive $0xFFFF  }
0x2b6: {  	p0 =	sne.s32 s0, $0x0;
	_ =	strace $0x90000047  }
0x2b7: {  	s0 =	sadd.s32 @!p0 $0x100000, s3;
	[bflag:$0x2] =	sbarrier.arrive $0xFFFF  }
0x2b8: {  	[sflag:s0] =	ssyncadd.tile.s32 @!p0 $0x1;
	_ =	shalt  }
.Lfunc_end2:
_tile_overlayer_lowered:
.L_overlay_start_2:
0x2b9: {  	(tag) =	ssettag $0x2  }
0x2ba: {  	s0 =	rddreg [dreg:$0x0];
	s2 =	stileid.u32  }
0x2bb: {  	s1 =	rddreg [dreg:$0x1];
	p0 =	sne.s32 s2, $0x0  }
0x2bc: {  	s3 =	rddreg [dreg:$0x2];
	[bflag:$0x3] =	sbarrier.arrive $0xFFFF;
	s2 =	simm.s32 @!p0 $0x1C05  }
0x2bd: {  	[timem:s3], [sflag:s2] =	dma.local @!p0 [hbm:s0], s1  }
0x2be: {  	s0 =	simm.s32 @!p0 $0x5  }
0x2bf: {  	_ =	swait.ge @!p0 [sflag:s0], s1  }
0x2c0: {  	s1 =	ssub.s32 @!p0 $0x0, s1;
	[sflag:s0] =	ssyncset.done @!p0 $0x0  }
0x2c1: {  	[sflag:s0] =	ssyncadd.s32 @!p0 s1  }
0x2c2: {  	[bflag:$0x3] =	sbarrier.arrive $0xFFFF  }
0x2c3: {  	_ =	shalt  }

</sc_bundles>
